<compile_context>
chip_gen: v7x
topology: tpu7x:2x2x1
jax: 0.10.2.dev20260603
libtpu: 0.0.44.dev20260713+nightly
codegen_flags: <defaults>
</compile_context>

<pallas_src>
import functools

import jax
import jax.numpy as jnp
from jax import lax
from jax.experimental import pallas as pl
from jax.experimental.pallas import tpu as pltpu
from jax.experimental.pallas import tpu_sc as plsc

B = 4096
L = 200
D = 32
LANES = 16
NC = 2
NS = 16
NW = NC * NS

BBLK = B // NW
CL = 8
NCHUNK = L // CL
DBLK = D // 8
BGRP = BBLK // LANES


def _body(seqT_hbm, tok_hbm, pos_hbm, out_hbm, idx_v, gath_v, y_v, x_v, pos_v,
          gsem):
    wid = lax.axis_index("s") * NC + lax.axis_index("c")
    pltpu.sync_copy(pos_hbm, pos_v)
    b0 = wid * BBLK
    lane = lax.iota(jnp.int32, LANES)
    lane32 = lane * D

    def chunk_body(c, carry):
        l0 = c * CL
        pltpu.sync_copy(seqT_hbm.at[pl.ds(l0, CL), pl.ds(b0, BBLK)], idx_v)

        @plsc.parallel_loop(0, CL * BGRP, 1, unroll=4)
        def _perm_body(u):
            r = u // BGRP
            bg = u % BGRP
            t = idx_v[r, pl.ds(bg * LANES, LANES)]
            idx_v[r, pl.ds(bg * LANES, LANES)] = (
                (t & jnp.int32(-16384))
                | ((t & jnp.int32(4095)) << 2)
                | ((t & jnp.int32(16383)) >> 12)
            )

        copies = [
            pltpu.async_copy(
                tok_hbm.at[idx_v.at[r]],
                gath_v.at[pl.ds(r * BBLK, BBLK)],
                gsem,
            )
            for r in range(CL)
        ]
        for cp in copies:
            cp.wait()

        @plsc.parallel_loop(0, CL * BBLK, 1, unroll=8)
        def _skew_body(u):
            r = u // BBLK
            b = u % BBLK
            l = l0 + r
            base = u * D
            v0 = gath_v[u, pl.ds(0, LANES)] + pos_v[l, pl.ds(0, LANES)]
            v1 = gath_v[u, pl.ds(LANES, LANES)] + pos_v[l, pl.ds(LANES, LANES)]
            plsc.store_scatter(y_v, [base + ((lane + b) & 31)], v0)
            plsc.store_scatter(y_v, [base + ((lane + (b + LANES)) & 31)], v1)

        @plsc.parallel_loop(0, CL * D, 1, unroll=8)
        def _rd_body(t):
            r = t // D
            d = t % D
            for bg in range(BGRP):
                bvec = lane + bg * LANES
                u32 = (r * BBLK + bg * LANES) * D
                idx = (lane32 + u32) + ((bvec + d) & 31)
                v = plsc.load_gather(y_v, [idx])
                x_v[d // 8, r, d % 8, pl.ds(bg * LANES, LANES)] = v
        for db in range(DBLK):
            pltpu.sync_copy(x_v.at[db], out_hbm.at[pl.ds(l0, CL), db, wid])
        return carry

    lax.fori_loop(0, NCHUNK, chunk_body, 0)


VOCAB = 1000000
TC_CB = 16384
TC_GRID = (VOCAB + TC_CB - 1) // TC_CB
TC_ROWS = TC_GRID * (TC_CB // 4)
PERM_V = TC_GRID * TC_CB


def _tc_retile_body(in_ref, out_ref):
    x = in_ref[...]
    y = x.T
    q = TC_CB // 4
    out_ref[...] = jnp.concatenate(
        [y[g * q:(g + 1) * q, :] for g in range(4)], axis=1)


def _tc_retile(tableT):
    return pl.pallas_call(
        _tc_retile_body,
        grid=(TC_GRID,),
        in_specs=[pl.BlockSpec((D, TC_CB), lambda i: (0, i))],
        out_specs=pl.BlockSpec((TC_CB // 4, 128), lambda i: (i, 0)),
        out_shape=jax.ShapeDtypeStruct((TC_ROWS, 128), jnp.float32),
    )(tableT)


def kernel(seq, token_table, pos_table):
    tok_lin = _tc_retile(jnp.transpose(token_table)).reshape(PERM_V, D)
    mesh = plsc.VectorSubcoreMesh(core_axis_name="c", subcore_axis_name="s")
    call = pl.kernel(
        _body,
        out_type=jax.ShapeDtypeStruct((L, DBLK, NW, 8, BBLK), jnp.float32),
        mesh=mesh,
        compiler_params=pltpu.CompilerParams(
            use_tc_tiling_on_sc=False, needs_layout_passes=False),
        scratch_types=[
            pltpu.VMEM((CL, BBLK), jnp.int32),
            pltpu.VMEM((CL * BBLK, D), jnp.float32),
            pltpu.VMEM((CL * BBLK * D,), jnp.float32),
            pltpu.VMEM((DBLK, CL, 8, BBLK), jnp.float32),
            pltpu.VMEM((L, D), jnp.float32),
            pltpu.SemaphoreType.DMA,
        ],
    )
    out5d = call(jnp.transpose(seq), tok_lin, pos_table)
    return out5d.transpose(2, 4, 0, 1, 3).reshape(B, L, D)

# --- scband reference (transcript-rebuilt; emitter-appended) ---
"""Pipeline reference for scband-seq-embedding-68427418960190 (READ-ONLY COPY).

The authoritative reference and input builder live on the scoring server;
editing this copy changes nothing except your own understanding.
"""

import jax, jax.numpy as jnp
import numpy as np

VOCAB_SIZE = 1000000
MAX_LENGTH = 200
DEPTH = 32
BATCH = 4096
SEQ_LEN = 200


def setup_inputs(seed: int = 0) -> dict:
    key = jax.random.key(seed)
    k1, k2, k3 = jax.random.split(key, 3)
    seq = jax.random.randint(k1, (BATCH, SEQ_LEN), 0, VOCAB_SIZE, dtype=jnp.int64 if jax.config.jax_enable_x64 else jnp.int32)
    token_table = jax.random.normal(k2, (VOCAB_SIZE, DEPTH), dtype=jnp.float32) * 0.02
    pos_table = jax.random.normal(k3, (MAX_LENGTH, DEPTH), dtype=jnp.float32) * 0.02
    return {"seq": seq, "token_table": token_table, "pos_table": pos_table}


def reference(seq, token_table, pos_table):
    # token embedding lookup: [B, L, D]
    tok = jnp.take(token_table, seq, axis=0)
    # positional embedding over sequence positions: [1, L, D]
    L = seq.shape[1]
    pos_idx = jnp.arange(L)
    pos = jnp.take(pos_table, pos_idx, axis=0)[jnp.newaxis, :, :]
    # add (broadcast over batch)
    out = tok + pos
    return out

if __name__ == "__main__":
    import jax
    _d = setup_inputs()
    print(jax.jit(kernel)(*tuple(_d.values())))

</pallas_src>

<mosaic_0001>
#map = affine_map<(d0, d1) -> (0, 0)>
#map1 = affine_map<(d0, d1) -> (0, 0, 0, 0, 0)>
module attributes {stable_mosaic.version = 14 : i64} {
  func.func @_body(%arg0: i32, %arg1: i32, %arg2: memref<200x4096xi32, #tpu.memory_space<hbm>>, %arg3: memref<1015808x32xf32, #tpu.memory_space<hbm>>, %arg4: memref<200x32xf32, #tpu.memory_space<hbm>>, %arg5: memref<200x4x32x8x128xf32, #tpu.memory_space<hbm>>, %arg6: memref<8x128xi32, #tpu.memory_space<vmem>>, %arg7: memref<1024x32xf32, #tpu.memory_space<vmem>>, %arg8: memref<32768xf32, #tpu.memory_space<vmem>>, %arg9: memref<4x8x8x128xf32, #tpu.memory_space<vmem>>, %arg10: memref<200x32xf32, #tpu.memory_space<vmem>>, %arg11: memref<!tpu.dma_semaphore, #tpu.memory_space<semaphore_mem>>) attributes {dimension_semantics = [#tpu.dimension_semantics<core_parallel>, #tpu.dimension_semantics<subcore_parallel>], iteration_bounds = array<i64: 2, 16>, scalar_prefetch = 0 : i64, scratch_operands = 6 : i64, tpu.core_type = #tpu.core_type<sc_vector_subcore>, window_params = [{transform_indices = #map}, {transform_indices = #map}, {transform_indices = #map}, {transform_indices = #map1}]} {
    %mul3A = arith.constant 2 : i32
    %mul3A_0 = arith.muli %arg1, %mul3A : i32
    %add3A = arith.addi %mul3A_0, %arg0 : i32
    "tpu.region"() ({
      %run_scoped3A = tpu.sem_alloc : memref<!tpu.dma_semaphore, #tpu.memory_space<semaphore_mem>>
      tpu.enqueue_dma source(%arg4 : memref<200x32xf32, #tpu.memory_space<hbm>>) target(%arg10 : memref<200x32xf32, #tpu.memory_space<vmem>>) target_semaphore(%run_scoped3A : memref<!tpu.dma_semaphore, #tpu.memory_space<semaphore_mem>>)
      tpu.wait_dma2 semaphore(%run_scoped3A : memref<!tpu.dma_semaphore, #tpu.memory_space<semaphore_mem>>) src(%arg4 : memref<200x32xf32, #tpu.memory_space<hbm>>) dst(%arg10 : memref<200x32xf32, #tpu.memory_space<vmem>>)
      tpu.yield
    }) : () -> ()
    %mul3A_1 = arith.constant 128 : i32
    %mul3A_2 = arith.muli %add3A, %mul3A_1 : i32
    %iota3A = tpu.iota {dimensions = array<i32: 0>} : vector<16xi32>
    %mul3A_3 = arith.constant 32 : i32
    %mul3A_4 = vector.broadcast %mul3A_3 : i32 to vector<16xi32>
    %mul3A_5 = arith.muli %iota3A, %mul3A_4 : vector<16xi32>
    %scan3A = arith.constant 0 : i32
    %scan3A_6 = arith.constant 0 : i32
    %scan3A_7 = arith.constant 25 : i32
    %scan3A_8 = arith.addi %scan3A_6, %scan3A_7 : i32
    %scan3A_9 = arith.constant 1 : i32
    scf.for %scan3A_11 = %scan3A_6 to %scan3A_8 step %scan3A_9  : i32 {
      %mul3A_12 = arith.constant 8 : i32
      %mul3A_13 = arith.muli %scan3A_11, %mul3A_12 : i32
      "tpu.region"() ({
        %run_scoped3A_187 = tpu.sem_alloc : memref<!tpu.dma_semaphore, #tpu.memory_space<semaphore_mem>>
        %dma_start3A_188 = tpu.memref_slice %arg2[%mul3A_13, %mul3A_2] : memref<200x4096xi32, #tpu.memory_space<hbm>> -> memref<8x128xi32, #tpu.memory_space<hbm>>
        %dma_start3A_189 = tpu.memref_slice %arg2[%mul3A_13, %mul3A_2] : memref<200x4096xi32, #tpu.memory_space<hbm>> -> memref<8x128xi32, #tpu.memory_space<hbm>>
        tpu.enqueue_dma source(%dma_start3A_189 : memref<8x128xi32, #tpu.memory_space<hbm>>) target(%arg6 : memref<8x128xi32, #tpu.memory_space<vmem>>) target_semaphore(%run_scoped3A_187 : memref<!tpu.dma_semaphore, #tpu.memory_space<semaphore_mem>>)
        %dma_wait3A_190 = tpu.memref_slice %arg2[%mul3A_13, %mul3A_2] : memref<200x4096xi32, #tpu.memory_space<hbm>> -> memref<8x128xi32, #tpu.memory_space<hbm>>
        %dma_wait3A_191 = tpu.memref_slice %arg2[%mul3A_13, %mul3A_2] : memref<200x4096xi32, #tpu.memory_space<hbm>> -> memref<8x128xi32, #tpu.memory_space<hbm>>
        tpu.wait_dma2 semaphore(%run_scoped3A_187 : memref<!tpu.dma_semaphore, #tpu.memory_space<semaphore_mem>>) src(%dma_wait3A_191 : memref<8x128xi32, #tpu.memory_space<hbm>>) dst(%arg6 : memref<8x128xi32, #tpu.memory_space<vmem>>)
        tpu.yield
      }) : () -> ()
      %parallel_loop3A = arith.constant 0 : i32
      %parallel_loop3A_14 = arith.constant 64 : i32
      %parallel_loop3A_15 = arith.constant 1 : i32
      scf.for %parallel_loop3A_187 = %parallel_loop3A to %parallel_loop3A_14 step %parallel_loop3A_15  : i32 {
        %parallel_loop3A_188 = arith.constant 8 : i32
        %parallel_loop3A_189 = arith.divsi %parallel_loop3A_187, %parallel_loop3A_188 : i32
        %parallel_loop3A_190 = arith.constant 0 : i32
        %parallel_loop3A_191 = arith.cmpi sgt, %parallel_loop3A_187, %parallel_loop3A_190 : i32
        %parallel_loop3A_192 = arith.extui %parallel_loop3A_191 : i1 to i32
        %parallel_loop3A_193 = arith.constant 0 : i32
        %parallel_loop3A_194 = arith.cmpi slt, %parallel_loop3A_187, %parallel_loop3A_193 : i32
        %parallel_loop3A_195 = arith.extui %parallel_loop3A_194 : i1 to i32
        %parallel_loop3A_196 = arith.subi %parallel_loop3A_192, %parallel_loop3A_195 : i32
        %parallel_loop3A_197 = arith.constant 0 : i32
        %parallel_loop3A_198 = arith.cmpi sgt, %parallel_loop3A_188, %parallel_loop3A_197 : i32
        %parallel_loop3A_199 = arith.extui %parallel_loop3A_198 : i1 to i32
        %parallel_loop3A_200 = arith.constant 0 : i32
        %parallel_loop3A_201 = arith.cmpi slt, %parallel_loop3A_188, %parallel_loop3A_200 : i32
        %parallel_loop3A_202 = arith.extui %parallel_loop3A_201 : i1 to i32
        %parallel_loop3A_203 = arith.subi %parallel_loop3A_199, %parallel_loop3A_202 : i32
        %parallel_loop3A_204 = arith.cmpi ne, %parallel_loop3A_196, %parallel_loop3A_203 : i32
        %parallel_loop3A_205 = arith.remsi %parallel_loop3A_187, %parallel_loop3A_188 : i32
        %parallel_loop3A_206 = arith.constant 0 : i32
        %parallel_loop3A_207 = arith.cmpi ne, %parallel_loop3A_205, %parallel_loop3A_206 : i32
        %parallel_loop3A_208 = arith.andi %parallel_loop3A_204, %parallel_loop3A_207 : i1
        %parallel_loop3A_209 = arith.constant 1 : i32
        %parallel_loop3A_210 = arith.subi %parallel_loop3A_189, %parallel_loop3A_209 : i32
        %parallel_loop3A_211 = arith.select %parallel_loop3A_208, %parallel_loop3A_210, %parallel_loop3A_189 : i32
        %parallel_loop3A_212 = arith.constant 8 : i32
        %parallel_loop3A_213 = arith.constant 0 : i32
        %parallel_loop3A_214 = arith.cmpi eq, %parallel_loop3A_212, %parallel_loop3A_213 : i32
        %parallel_loop3A_215 = arith.constant 1 : i32
        %parallel_loop3A_216 = arith.select %parallel_loop3A_214, %parallel_loop3A_215, %parallel_loop3A_212 : i32
        %parallel_loop3A_217 = arith.remsi %parallel_loop3A_187, %parallel_loop3A_216 : i32
        %parallel_loop3A_218 = arith.constant 0 : i32
        %parallel_loop3A_219 = arith.cmpi ne, %parallel_loop3A_217, %parallel_loop3A_218 : i32
        %parallel_loop3A_220 = arith.constant 0 : i32
        %parallel_loop3A_221 = arith.cmpi slt, %parallel_loop3A_217, %parallel_loop3A_220 : i32
        %parallel_loop3A_222 = arith.constant 0 : i32
        %parallel_loop3A_223 = arith.cmpi slt, %parallel_loop3A_216, %parallel_loop3A_222 : i32
        %parallel_loop3A_224 = arith.xori %parallel_loop3A_221, %parallel_loop3A_223 : i1
        %parallel_loop3A_225 = arith.andi %parallel_loop3A_224, %parallel_loop3A_219 : i1
        %parallel_loop3A_226 = arith.addi %parallel_loop3A_217, %parallel_loop3A_216 : i32
        %parallel_loop3A_227 = arith.select %parallel_loop3A_225, %parallel_loop3A_226, %parallel_loop3A_217 : i32
        %parallel_loop3A_228 = arith.constant 16 : i32
        %parallel_loop3A_229 = arith.muli %parallel_loop3A_227, %parallel_loop3A_228 : i32
        %parallel_loop3A_230 = arith.index_cast %parallel_loop3A_211 : i32 to index
        %parallel_loop3A_231 = arith.index_cast %parallel_loop3A_229 : i32 to index
        %parallel_loop3A_232 = tpu.vector_load %arg6[%parallel_loop3A_230, %parallel_loop3A_231] {strides = array<i32>} : memref<8x128xi32, #tpu.memory_space<vmem>>, vector<16xi32>,
        %parallel_loop3A_233 = arith.constant -16384 : i32
        %parallel_loop3A_234 = vector.broadcast %parallel_loop3A_233 : i32 to vector<16xi32>
        %parallel_loop3A_235 = arith.andi %parallel_loop3A_232, %parallel_loop3A_234 : vector<16xi32>
        %parallel_loop3A_236 = arith.constant 4095 : i32
        %parallel_loop3A_237 = vector.broadcast %parallel_loop3A_236 : i32 to vector<16xi32>
        %parallel_loop3A_238 = arith.andi %parallel_loop3A_232, %parallel_loop3A_237 : vector<16xi32>
        %parallel_loop3A_239 = arith.constant 2 : i32
        %parallel_loop3A_240 = vector.broadcast %parallel_loop3A_239 : i32 to vector<16xi32>
        %parallel_loop3A_241 = arith.shli %parallel_loop3A_238, %parallel_loop3A_240 : vector<16xi32>
        %parallel_loop3A_242 = arith.ori %parallel_loop3A_235, %parallel_loop3A_241 : vector<16xi32>
        %parallel_loop3A_243 = arith.constant 16383 : i32
        %parallel_loop3A_244 = vector.broadcast %parallel_loop3A_243 : i32 to vector<16xi32>
        %parallel_loop3A_245 = arith.andi %parallel_loop3A_232, %parallel_loop3A_244 : vector<16xi32>
        %parallel_loop3A_246 = arith.constant 12 : i32
        %parallel_loop3A_247 = vector.broadcast %parallel_loop3A_246 : i32 to vector<16xi32>
        %parallel_loop3A_248 = arith.shrsi %parallel_loop3A_245, %parallel_loop3A_247 : vector<16xi32>
        %parallel_loop3A_249 = arith.ori %parallel_loop3A_242, %parallel_loop3A_248 : vector<16xi32>
        %parallel_loop3A_250 = arith.constant 16 : i32
        %parallel_loop3A_251 = arith.muli %parallel_loop3A_227, %parallel_loop3A_250 : i32
        %parallel_loop3A_252 = arith.index_cast %parallel_loop3A_211 : i32 to index
        %parallel_loop3A_253 = arith.index_cast %parallel_loop3A_251 : i32 to index
        %parallel_loop3A_254 = tpu.vector_load %arg6[%parallel_loop3A_252, %parallel_loop3A_253] {strides = array<i32>} : memref<8x128xi32, #tpu.memory_space<vmem>>, vector<16xi32>,
        tpu.vector_store %arg6[%parallel_loop3A_252, %parallel_loop3A_253], %parallel_loop3A_249 {strides = array<i32>} : memref<8x128xi32, #tpu.memory_space<vmem>>, vector<16xi32>,
      } {sc.loop_unroll_factor = 4 : i64, sc.parallel_access}
      %dma_start3A = arith.constant 0 : i32
      %dma_start3A_16 = arith.constant 0 : i32
      %dma_start3A_17 = arith.constant 0 : i32
      %dma_start3A_18 = tpu.memref_slice %arg7[%dma_start3A_16, %dma_start3A_17] : memref<1024x32xf32, #tpu.memory_space<vmem>> -> memref<128x32xf32, #tpu.memory_space<vmem>>
      %dma_start3A_19 = arith.constant 0 : i32
      %dma_start3A_20 = tpu.memref_slice %arg6[%dma_start3A, %dma_start3A_19] : memref<8x128xi32, #tpu.memory_space<vmem>> -> memref<1x128xi32, #tpu.memory_space<vmem>>
      %dma_start3A_21 = tpu.memref_squeeze %dma_start3A_20 : memref<1x128xi32, #tpu.memory_space<vmem>> -> memref<128xi32, #tpu.memory_space<vmem>>
      %dma_start3A_22 = arith.constant 0 : i32
      %dma_start3A_23 = arith.constant 0 : i32
      %dma_start3A_24 = tpu.memref_slice %arg3[%dma_start3A_22, %dma_start3A_23] : memref<1015808x32xf32, #tpu.memory_space<hbm>> -> memref<1015808x32xf32, #tpu.memory_space<hbm>>
      tpu.enqueue_indirect_dma source(%dma_start3A_24 : memref<1015808x32xf32, #tpu.memory_space<hbm>>) target(%dma_start3A_18 : memref<128x32xf32, #tpu.memory_space<vmem>>) offsets(%dma_start3A_21 : memref<128xi32, #tpu.memory_space<vmem>>) semaphore(%arg11 : memref<!tpu.dma_semaphore, #tpu.memory_space<semaphore_mem>>)
      %dma_start3A_25 = arith.constant 1 : i32
      %dma_start3A_26 = arith.constant 128 : i32
      %dma_start3A_27 = arith.constant 0 : i32
      %dma_start3A_28 = tpu.memref_slice %arg7[%dma_start3A_26, %dma_start3A_27] : memref<1024x32xf32, #tpu.memory_space<vmem>> -> memref<128x32xf32, #tpu.memory_space<vmem>>
      %dma_start3A_29 = arith.constant 0 : i32
      %dma_start3A_30 = tpu.memref_slice %arg6[%dma_start3A_25, %dma_start3A_29] : memref<8x128xi32, #tpu.memory_space<vmem>> -> memref<1x128xi32, #tpu.memory_space<vmem>>
      %dma_start3A_31 = tpu.memref_squeeze %dma_start3A_30 : memref<1x128xi32, #tpu.memory_space<vmem>> -> memref<128xi32, #tpu.memory_space<vmem>>
      %dma_start3A_32 = arith.constant 0 : i32
      %dma_start3A_33 = arith.constant 0 : i32
      %dma_start3A_34 = tpu.memref_slice %arg3[%dma_start3A_32, %dma_start3A_33] : memref<1015808x32xf32, #tpu.memory_space<hbm>> -> memref<1015808x32xf32, #tpu.memory_space<hbm>>
      tpu.enqueue_indirect_dma source(%dma_start3A_34 : memref<1015808x32xf32, #tpu.memory_space<hbm>>) target(%dma_start3A_28 : memref<128x32xf32, #tpu.memory_space<vmem>>) offsets(%dma_start3A_31 : memref<128xi32, #tpu.memory_space<vmem>>) semaphore(%arg11 : memref<!tpu.dma_semaphore, #tpu.memory_space<semaphore_mem>>)
      %dma_start3A_35 = arith.constant 2 : i32
      %dma_start3A_36 = arith.constant 256 : i32
      %dma_start3A_37 = arith.constant 0 : i32
      %dma_start3A_38 = tpu.memref_slice %arg7[%dma_start3A_36, %dma_start3A_37] : memref<1024x32xf32, #tpu.memory_space<vmem>> -> memref<128x32xf32, #tpu.memory_space<vmem>>
      %dma_start3A_39 = arith.constant 0 : i32
      %dma_start3A_40 = tpu.memref_slice %arg6[%dma_start3A_35, %dma_start3A_39] : memref<8x128xi32, #tpu.memory_space<vmem>> -> memref<1x128xi32, #tpu.memory_space<vmem>>
      %dma_start3A_41 = tpu.memref_squeeze %dma_start3A_40 : memref<1x128xi32, #tpu.memory_space<vmem>> -> memref<128xi32, #tpu.memory_space<vmem>>
      %dma_start3A_42 = arith.constant 0 : i32
      %dma_start3A_43 = arith.constant 0 : i32
      %dma_start3A_44 = tpu.memref_slice %arg3[%dma_start3A_42, %dma_start3A_43] : memref<1015808x32xf32, #tpu.memory_space<hbm>> -> memref<1015808x32xf32, #tpu.memory_space<hbm>>
      tpu.enqueue_indirect_dma source(%dma_start3A_44 : memref<1015808x32xf32, #tpu.memory_space<hbm>>) target(%dma_start3A_38 : memref<128x32xf32, #tpu.memory_space<vmem>>) offsets(%dma_start3A_41 : memref<128xi32, #tpu.memory_space<vmem>>) semaphore(%arg11 : memref<!tpu.dma_semaphore, #tpu.memory_space<semaphore_mem>>)
      %dma_start3A_45 = arith.constant 3 : i32
      %dma_start3A_46 = arith.constant 384 : i32
      %dma_start3A_47 = arith.constant 0 : i32
      %dma_start3A_48 = tpu.memref_slice %arg7[%dma_start3A_46, %dma_start3A_47] : memref<1024x32xf32, #tpu.memory_space<vmem>> -> memref<128x32xf32, #tpu.memory_space<vmem>>
      %dma_start3A_49 = arith.constant 0 : i32
      %dma_start3A_50 = tpu.memref_slice %arg6[%dma_start3A_45, %dma_start3A_49] : memref<8x128xi32, #tpu.memory_space<vmem>> -> memref<1x128xi32, #tpu.memory_space<vmem>>
      %dma_start3A_51 = tpu.memref_squeeze %dma_start3A_50 : memref<1x128xi32, #tpu.memory_space<vmem>> -> memref<128xi32, #tpu.memory_space<vmem>>
      %dma_start3A_52 = arith.constant 0 : i32
      %dma_start3A_53 = arith.constant 0 : i32
      %dma_start3A_54 = tpu.memref_slice %arg3[%dma_start3A_52, %dma_start3A_53] : memref<1015808x32xf32, #tpu.memory_space<hbm>> -> memref<1015808x32xf32, #tpu.memory_space<hbm>>
      tpu.enqueue_indirect_dma source(%dma_start3A_54 : memref<1015808x32xf32, #tpu.memory_space<hbm>>) target(%dma_start3A_48 : memref<128x32xf32, #tpu.memory_space<vmem>>) offsets(%dma_start3A_51 : memref<128xi32, #tpu.memory_space<vmem>>) semaphore(%arg11 : memref<!tpu.dma_semaphore, #tpu.memory_space<semaphore_mem>>)
      %dma_start3A_55 = arith.constant 4 : i32
      %dma_start3A_56 = arith.constant 512 : i32
      %dma_start3A_57 = arith.constant 0 : i32
      %dma_start3A_58 = tpu.memref_slice %arg7[%dma_start3A_56, %dma_start3A_57] : memref<1024x32xf32, #tpu.memory_space<vmem>> -> memref<128x32xf32, #tpu.memory_space<vmem>>
      %dma_start3A_59 = arith.constant 0 : i32
      %dma_start3A_60 = tpu.memref_slice %arg6[%dma_start3A_55, %dma_start3A_59] : memref<8x128xi32, #tpu.memory_space<vmem>> -> memref<1x128xi32, #tpu.memory_space<vmem>>
      %dma_start3A_61 = tpu.memref_squeeze %dma_start3A_60 : memref<1x128xi32, #tpu.memory_space<vmem>> -> memref<128xi32, #tpu.memory_space<vmem>>
      %dma_start3A_62 = arith.constant 0 : i32
      %dma_start3A_63 = arith.constant 0 : i32
      %dma_start3A_64 = tpu.memref_slice %arg3[%dma_start3A_62, %dma_start3A_63] : memref<1015808x32xf32, #tpu.memory_space<hbm>> -> memref<1015808x32xf32, #tpu.memory_space<hbm>>
      tpu.enqueue_indirect_dma source(%dma_start3A_64 : memref<1015808x32xf32, #tpu.memory_space<hbm>>) target(%dma_start3A_58 : memref<128x32xf32, #tpu.memory_space<vmem>>) offsets(%dma_start3A_61 : memref<128xi32, #tpu.memory_space<vmem>>) semaphore(%arg11 : memref<!tpu.dma_semaphore, #tpu.memory_space<semaphore_mem>>)
      %dma_start3A_65 = arith.constant 5 : i32
      %dma_start3A_66 = arith.constant 640 : i32
      %dma_start3A_67 = arith.constant 0 : i32
      %dma_start3A_68 = tpu.memref_slice %arg7[%dma_start3A_66, %dma_start3A_67] : memref<1024x32xf32, #tpu.memory_space<vmem>> -> memref<128x32xf32, #tpu.memory_space<vmem>>
      %dma_start3A_69 = arith.constant 0 : i32
      %dma_start3A_70 = tpu.memref_slice %arg6[%dma_start3A_65, %dma_start3A_69] : memref<8x128xi32, #tpu.memory_space<vmem>> -> memref<1x128xi32, #tpu.memory_space<vmem>>
      %dma_start3A_71 = tpu.memref_squeeze %dma_start3A_70 : memref<1x128xi32, #tpu.memory_space<vmem>> -> memref<128xi32, #tpu.memory_space<vmem>>
      %dma_start3A_72 = arith.constant 0 : i32
      %dma_start3A_73 = arith.constant 0 : i32
      %dma_start3A_74 = tpu.memref_slice %arg3[%dma_start3A_72, %dma_start3A_73] : memref<1015808x32xf32, #tpu.memory_space<hbm>> -> memref<1015808x32xf32, #tpu.memory_space<hbm>>
      tpu.enqueue_indirect_dma source(%dma_start3A_74 : memref<1015808x32xf32, #tpu.memory_space<hbm>>) target(%dma_start3A_68 : memref<128x32xf32, #tpu.memory_space<vmem>>) offsets(%dma_start3A_71 : memref<128xi32, #tpu.memory_space<vmem>>) semaphore(%arg11 : memref<!tpu.dma_semaphore, #tpu.memory_space<semaphore_mem>>)
      %dma_start3A_75 = arith.constant 6 : i32
      %dma_start3A_76 = arith.constant 768 : i32
      %dma_start3A_77 = arith.constant 0 : i32
      %dma_start3A_78 = tpu.memref_slice %arg7[%dma_start3A_76, %dma_start3A_77] : memref<1024x32xf32, #tpu.memory_space<vmem>> -> memref<128x32xf32, #tpu.memory_space<vmem>>
      %dma_start3A_79 = arith.constant 0 : i32
      %dma_start3A_80 = tpu.memref_slice %arg6[%dma_start3A_75, %dma_start3A_79] : memref<8x128xi32, #tpu.memory_space<vmem>> -> memref<1x128xi32, #tpu.memory_space<vmem>>
      %dma_start3A_81 = tpu.memref_squeeze %dma_start3A_80 : memref<1x128xi32, #tpu.memory_space<vmem>> -> memref<128xi32, #tpu.memory_space<vmem>>
      %dma_start3A_82 = arith.constant 0 : i32
      %dma_start3A_83 = arith.constant 0 : i32
      %dma_start3A_84 = tpu.memref_slice %arg3[%dma_start3A_82, %dma_start3A_83] : memref<1015808x32xf32, #tpu.memory_space<hbm>> -> memref<1015808x32xf32, #tpu.memory_space<hbm>>
      tpu.enqueue_indirect_dma source(%dma_start3A_84 : memref<1015808x32xf32, #tpu.memory_space<hbm>>) target(%dma_start3A_78 : memref<128x32xf32, #tpu.memory_space<vmem>>) offsets(%dma_start3A_81 : memref<128xi32, #tpu.memory_space<vmem>>) semaphore(%arg11 : memref<!tpu.dma_semaphore, #tpu.memory_space<semaphore_mem>>)
      %dma_start3A_85 = arith.constant 7 : i32
      %dma_start3A_86 = arith.constant 896 : i32
      %dma_start3A_87 = arith.constant 0 : i32
      %dma_start3A_88 = tpu.memref_slice %arg7[%dma_start3A_86, %dma_start3A_87] : memref<1024x32xf32, #tpu.memory_space<vmem>> -> memref<128x32xf32, #tpu.memory_space<vmem>>
      %dma_start3A_89 = arith.constant 0 : i32
      %dma_start3A_90 = tpu.memref_slice %arg6[%dma_start3A_85, %dma_start3A_89] : memref<8x128xi32, #tpu.memory_space<vmem>> -> memref<1x128xi32, #tpu.memory_space<vmem>>
      %dma_start3A_91 = tpu.memref_squeeze %dma_start3A_90 : memref<1x128xi32, #tpu.memory_space<vmem>> -> memref<128xi32, #tpu.memory_space<vmem>>
      %dma_start3A_92 = arith.constant 0 : i32
      %dma_start3A_93 = arith.constant 0 : i32
      %dma_start3A_94 = tpu.memref_slice %arg3[%dma_start3A_92, %dma_start3A_93] : memref<1015808x32xf32, #tpu.memory_space<hbm>> -> memref<1015808x32xf32, #tpu.memory_space<hbm>>
      tpu.enqueue_indirect_dma source(%dma_start3A_94 : memref<1015808x32xf32, #tpu.memory_space<hbm>>) target(%dma_start3A_88 : memref<128x32xf32, #tpu.memory_space<vmem>>) offsets(%dma_start3A_91 : memref<128xi32, #tpu.memory_space<vmem>>) semaphore(%arg11 : memref<!tpu.dma_semaphore, #tpu.memory_space<semaphore_mem>>)
      %dma_wait3A = arith.constant 0 : i32
      %dma_wait3A_95 = arith.constant 0 : i32
      %dma_wait3A_96 = arith.constant 0 : i32
      %dma_wait3A_97 = tpu.memref_slice %arg7[%dma_wait3A_95, %dma_wait3A_96] : memref<1024x32xf32, #tpu.memory_space<vmem>> -> memref<128x32xf32, #tpu.memory_space<vmem>>
      %dma_wait3A_98 = arith.constant 0 : i32
      %dma_wait3A_99 = tpu.memref_slice %arg6[%dma_wait3A, %dma_wait3A_98] : memref<8x128xi32, #tpu.memory_space<vmem>> -> memref<1x128xi32, #tpu.memory_space<vmem>>
      %dma_wait3A_100 = tpu.memref_squeeze %dma_wait3A_99 : memref<1x128xi32, #tpu.memory_space<vmem>> -> memref<128xi32, #tpu.memory_space<vmem>>
      %dma_wait3A_101 = arith.constant 0 : i32
      %dma_wait3A_102 = arith.constant 0 : i32
      %dma_wait3A_103 = tpu.memref_slice %arg3[%dma_wait3A_101, %dma_wait3A_102] : memref<1015808x32xf32, #tpu.memory_space<hbm>> -> memref<1015808x32xf32, #tpu.memory_space<hbm>>
      tpu.wait_indirect_dma semaphore(%arg11 : memref<!tpu.dma_semaphore, #tpu.memory_space<semaphore_mem>>) src(%dma_wait3A_103 : memref<1015808x32xf32, #tpu.memory_space<hbm>>) dst(%dma_wait3A_97 : memref<128x32xf32, #tpu.memory_space<vmem>>)
      %dma_wait3A_104 = arith.constant 1 : i32
      %dma_wait3A_105 = arith.constant 128 : i32
      %dma_wait3A_106 = arith.constant 0 : i32
      %dma_wait3A_107 = tpu.memref_slice %arg7[%dma_wait3A_105, %dma_wait3A_106] : memref<1024x32xf32, #tpu.memory_space<vmem>> -> memref<128x32xf32, #tpu.memory_space<vmem>>
      %dma_wait3A_108 = arith.constant 0 : i32
      %dma_wait3A_109 = tpu.memref_slice %arg6[%dma_wait3A_104, %dma_wait3A_108] : memref<8x128xi32, #tpu.memory_space<vmem>> -> memref<1x128xi32, #tpu.memory_space<vmem>>
      %dma_wait3A_110 = tpu.memref_squeeze %dma_wait3A_109 : memref<1x128xi32, #tpu.memory_space<vmem>> -> memref<128xi32, #tpu.memory_space<vmem>>
      %dma_wait3A_111 = arith.constant 0 : i32
      %dma_wait3A_112 = arith.constant 0 : i32
      %dma_wait3A_113 = tpu.memref_slice %arg3[%dma_wait3A_111, %dma_wait3A_112] : memref<1015808x32xf32, #tpu.memory_space<hbm>> -> memref<1015808x32xf32, #tpu.memory_space<hbm>>
      tpu.wait_indirect_dma semaphore(%arg11 : memref<!tpu.dma_semaphore, #tpu.memory_space<semaphore_mem>>) src(%dma_wait3A_113 : memref<1015808x32xf32, #tpu.memory_space<hbm>>) dst(%dma_wait3A_107 : memref<128x32xf32, #tpu.memory_space<vmem>>)
      %dma_wait3A_114 = arith.constant 2 : i32
      %dma_wait3A_115 = arith.constant 256 : i32
      %dma_wait3A_116 = arith.constant 0 : i32
      %dma_wait3A_117 = tpu.memref_slice %arg7[%dma_wait3A_115, %dma_wait3A_116] : memref<1024x32xf32, #tpu.memory_space<vmem>> -> memref<128x32xf32, #tpu.memory_space<vmem>>
      %dma_wait3A_118 = arith.constant 0 : i32
      %dma_wait3A_119 = tpu.memref_slice %arg6[%dma_wait3A_114, %dma_wait3A_118] : memref<8x128xi32, #tpu.memory_space<vmem>> -> memref<1x128xi32, #tpu.memory_space<vmem>>
      %dma_wait3A_120 = tpu.memref_squeeze %dma_wait3A_119 : memref<1x128xi32, #tpu.memory_space<vmem>> -> memref<128xi32, #tpu.memory_space<vmem>>
      %dma_wait3A_121 = arith.constant 0 : i32
      %dma_wait3A_122 = arith.constant 0 : i32
      %dma_wait3A_123 = tpu.memref_slice %arg3[%dma_wait3A_121, %dma_wait3A_122] : memref<1015808x32xf32, #tpu.memory_space<hbm>> -> memref<1015808x32xf32, #tpu.memory_space<hbm>>
      tpu.wait_indirect_dma semaphore(%arg11 : memref<!tpu.dma_semaphore, #tpu.memory_space<semaphore_mem>>) src(%dma_wait3A_123 : memref<1015808x32xf32, #tpu.memory_space<hbm>>) dst(%dma_wait3A_117 : memref<128x32xf32, #tpu.memory_space<vmem>>)
      %dma_wait3A_124 = arith.constant 3 : i32
      %dma_wait3A_125 = arith.constant 384 : i32
      %dma_wait3A_126 = arith.constant 0 : i32
      %dma_wait3A_127 = tpu.memref_slice %arg7[%dma_wait3A_125, %dma_wait3A_126] : memref<1024x32xf32, #tpu.memory_space<vmem>> -> memref<128x32xf32, #tpu.memory_space<vmem>>
      %dma_wait3A_128 = arith.constant 0 : i32
      %dma_wait3A_129 = tpu.memref_slice %arg6[%dma_wait3A_124, %dma_wait3A_128] : memref<8x128xi32, #tpu.memory_space<vmem>> -> memref<1x128xi32, #tpu.memory_space<vmem>>
      %dma_wait3A_130 = tpu.memref_squeeze %dma_wait3A_129 : memref<1x128xi32, #tpu.memory_space<vmem>> -> memref<128xi32, #tpu.memory_space<vmem>>
      %dma_wait3A_131 = arith.constant 0 : i32
      %dma_wait3A_132 = arith.constant 0 : i32
      %dma_wait3A_133 = tpu.memref_slice %arg3[%dma_wait3A_131, %dma_wait3A_132] : memref<1015808x32xf32, #tpu.memory_space<hbm>> -> memref<1015808x32xf32, #tpu.memory_space<hbm>>
      tpu.wait_indirect_dma semaphore(%arg11 : memref<!tpu.dma_semaphore, #tpu.memory_space<semaphore_mem>>) src(%dma_wait3A_133 : memref<1015808x32xf32, #tpu.memory_space<hbm>>) dst(%dma_wait3A_127 : memref<128x32xf32, #tpu.memory_space<vmem>>)
      %dma_wait3A_134 = arith.constant 4 : i32
      %dma_wait3A_135 = arith.constant 512 : i32
      %dma_wait3A_136 = arith.constant 0 : i32
      %dma_wait3A_137 = tpu.memref_slice %arg7[%dma_wait3A_135, %dma_wait3A_136] : memref<1024x32xf32, #tpu.memory_space<vmem>> -> memref<128x32xf32, #tpu.memory_space<vmem>>
      %dma_wait3A_138 = arith.constant 0 : i32
      %dma_wait3A_139 = tpu.memref_slice %arg6[%dma_wait3A_134, %dma_wait3A_138] : memref<8x128xi32, #tpu.memory_space<vmem>> -> memref<1x128xi32, #tpu.memory_space<vmem>>
      %dma_wait3A_140 = tpu.memref_squeeze %dma_wait3A_139 : memref<1x128xi32, #tpu.memory_space<vmem>> -> memref<128xi32, #tpu.memory_space<vmem>>
      %dma_wait3A_141 = arith.constant 0 : i32
      %dma_wait3A_142 = arith.constant 0 : i32
      %dma_wait3A_143 = tpu.memref_slice %arg3[%dma_wait3A_141, %dma_wait3A_142] : memref<1015808x32xf32, #tpu.memory_space<hbm>> -> memref<1015808x32xf32, #tpu.memory_space<hbm>>
      tpu.wait_indirect_dma semaphore(%arg11 : memref<!tpu.dma_semaphore, #tpu.memory_space<semaphore_mem>>) src(%dma_wait3A_143 : memref<1015808x32xf32, #tpu.memory_space<hbm>>) dst(%dma_wait3A_137 : memref<128x32xf32, #tpu.memory_space<vmem>>)
      %dma_wait3A_144 = arith.constant 5 : i32
      %dma_wait3A_145 = arith.constant 640 : i32
      %dma_wait3A_146 = arith.constant 0 : i32
      %dma_wait3A_147 = tpu.memref_slice %arg7[%dma_wait3A_145, %dma_wait3A_146] : memref<1024x32xf32, #tpu.memory_space<vmem>> -> memref<128x32xf32, #tpu.memory_space<vmem>>
      %dma_wait3A_148 = arith.constant 0 : i32
      %dma_wait3A_149 = tpu.memref_slice %arg6[%dma_wait3A_144, %dma_wait3A_148] : memref<8x128xi32, #tpu.memory_space<vmem>> -> memref<1x128xi32, #tpu.memory_space<vmem>>
      %dma_wait3A_150 = tpu.memref_squeeze %dma_wait3A_149 : memref<1x128xi32, #tpu.memory_space<vmem>> -> memref<128xi32, #tpu.memory_space<vmem>>
      %dma_wait3A_151 = arith.constant 0 : i32
      %dma_wait3A_152 = arith.constant 0 : i32
      %dma_wait3A_153 = tpu.memref_slice %arg3[%dma_wait3A_151, %dma_wait3A_152] : memref<1015808x32xf32, #tpu.memory_space<hbm>> -> memref<1015808x32xf32, #tpu.memory_space<hbm>>
      tpu.wait_indirect_dma semaphore(%arg11 : memref<!tpu.dma_semaphore, #tpu.memory_space<semaphore_mem>>) src(%dma_wait3A_153 : memref<1015808x32xf32, #tpu.memory_space<hbm>>) dst(%dma_wait3A_147 : memref<128x32xf32, #tpu.memory_space<vmem>>)
      %dma_wait3A_154 = arith.constant 6 : i32
      %dma_wait3A_155 = arith.constant 768 : i32
      %dma_wait3A_156 = arith.constant 0 : i32
      %dma_wait3A_157 = tpu.memref_slice %arg7[%dma_wait3A_155, %dma_wait3A_156] : memref<1024x32xf32, #tpu.memory_space<vmem>> -> memref<128x32xf32, #tpu.memory_space<vmem>>
      %dma_wait3A_158 = arith.constant 0 : i32
      %dma_wait3A_159 = tpu.memref_slice %arg6[%dma_wait3A_154, %dma_wait3A_158] : memref<8x128xi32, #tpu.memory_space<vmem>> -> memref<1x128xi32, #tpu.memory_space<vmem>>
      %dma_wait3A_160 = tpu.memref_squeeze %dma_wait3A_159 : memref<1x128xi32, #tpu.memory_space<vmem>> -> memref<128xi32, #tpu.memory_space<vmem>>
      %dma_wait3A_161 = arith.constant 0 : i32
      %dma_wait3A_162 = arith.constant 0 : i32
      %dma_wait3A_163 = tpu.memref_slice %arg3[%dma_wait3A_161, %dma_wait3A_162] : memref<1015808x32xf32, #tpu.memory_space<hbm>> -> memref<1015808x32xf32, #tpu.memory_space<hbm>>
      tpu.wait_indirect_dma semaphore(%arg11 : memref<!tpu.dma_semaphore, #tpu.memory_space<semaphore_mem>>) src(%dma_wait3A_163 : memref<1015808x32xf32, #tpu.memory_space<hbm>>) dst(%dma_wait3A_157 : memref<128x32xf32, #tpu.memory_space<vmem>>)
      %dma_wait3A_164 = arith.constant 7 : i32
      %dma_wait3A_165 = arith.constant 896 : i32
      %dma_wait3A_166 = arith.constant 0 : i32
      %dma_wait3A_167 = tpu.memref_slice %arg7[%dma_wait3A_165, %dma_wait3A_166] : memref<1024x32xf32, #tpu.memory_space<vmem>> -> memref<128x32xf32, #tpu.memory_space<vmem>>
      %dma_wait3A_168 = arith.constant 0 : i32
      %dma_wait3A_169 = tpu.memref_slice %arg6[%dma_wait3A_164, %dma_wait3A_168] : memref<8x128xi32, #tpu.memory_space<vmem>> -> memref<1x128xi32, #tpu.memory_space<vmem>>
      %dma_wait3A_170 = tpu.memref_squeeze %dma_wait3A_169 : memref<1x128xi32, #tpu.memory_space<vmem>> -> memref<128xi32, #tpu.memory_space<vmem>>
      %dma_wait3A_171 = arith.constant 0 : i32
      %dma_wait3A_172 = arith.constant 0 : i32
      %dma_wait3A_173 = tpu.memref_slice %arg3[%dma_wait3A_171, %dma_wait3A_172] : memref<1015808x32xf32, #tpu.memory_space<hbm>> -> memref<1015808x32xf32, #tpu.memory_space<hbm>>
      tpu.wait_indirect_dma semaphore(%arg11 : memref<!tpu.dma_semaphore, #tpu.memory_space<semaphore_mem>>) src(%dma_wait3A_173 : memref<1015808x32xf32, #tpu.memory_space<hbm>>) dst(%dma_wait3A_167 : memref<128x32xf32, #tpu.memory_space<vmem>>)
      %parallel_loop3A_174 = arith.constant 0 : i32
      %parallel_loop3A_175 = arith.constant 1024 : i32
      %parallel_loop3A_176 = arith.constant 1 : i32
      scf.for %parallel_loop3A_187 = %parallel_loop3A_174 to %parallel_loop3A_175 step %parallel_loop3A_176  : i32 {
        %parallel_loop3A_188 = arith.constant 128 : i32
        %parallel_loop3A_189 = arith.divsi %parallel_loop3A_187, %parallel_loop3A_188 : i32
        %parallel_loop3A_190 = arith.constant 0 : i32
        %parallel_loop3A_191 = arith.cmpi sgt, %parallel_loop3A_187, %parallel_loop3A_190 : i32
        %parallel_loop3A_192 = arith.extui %parallel_loop3A_191 : i1 to i32
        %parallel_loop3A_193 = arith.constant 0 : i32
        %parallel_loop3A_194 = arith.cmpi slt, %parallel_loop3A_187, %parallel_loop3A_193 : i32
        %parallel_loop3A_195 = arith.extui %parallel_loop3A_194 : i1 to i32
        %parallel_loop3A_196 = arith.subi %parallel_loop3A_192, %parallel_loop3A_195 : i32
        %parallel_loop3A_197 = arith.constant 0 : i32
        %parallel_loop3A_198 = arith.cmpi sgt, %parallel_loop3A_188, %parallel_loop3A_197 : i32
        %parallel_loop3A_199 = arith.extui %parallel_loop3A_198 : i1 to i32
        %parallel_loop3A_200 = arith.constant 0 : i32
        %parallel_loop3A_201 = arith.cmpi slt, %parallel_loop3A_188, %parallel_loop3A_200 : i32
        %parallel_loop3A_202 = arith.extui %parallel_loop3A_201 : i1 to i32
        %parallel_loop3A_203 = arith.subi %parallel_loop3A_199, %parallel_loop3A_202 : i32
        %parallel_loop3A_204 = arith.cmpi ne, %parallel_loop3A_196, %parallel_loop3A_203 : i32
        %parallel_loop3A_205 = arith.remsi %parallel_loop3A_187, %parallel_loop3A_188 : i32
        %parallel_loop3A_206 = arith.constant 0 : i32
        %parallel_loop3A_207 = arith.cmpi ne, %parallel_loop3A_205, %parallel_loop3A_206 : i32
        %parallel_loop3A_208 = arith.andi %parallel_loop3A_204, %parallel_loop3A_207 : i1
        %parallel_loop3A_209 = arith.constant 1 : i32
        %parallel_loop3A_210 = arith.subi %parallel_loop3A_189, %parallel_loop3A_209 : i32
        %parallel_loop3A_211 = arith.select %parallel_loop3A_208, %parallel_loop3A_210, %parallel_loop3A_189 : i32
        %parallel_loop3A_212 = arith.constant 128 : i32
        %parallel_loop3A_213 = arith.constant 0 : i32
        %parallel_loop3A_214 = arith.cmpi eq, %parallel_loop3A_212, %parallel_loop3A_213 : i32
        %parallel_loop3A_215 = arith.constant 1 : i32
        %parallel_loop3A_216 = arith.select %parallel_loop3A_214, %parallel_loop3A_215, %parallel_loop3A_212 : i32
        %parallel_loop3A_217 = arith.remsi %parallel_loop3A_187, %parallel_loop3A_216 : i32
        %parallel_loop3A_218 = arith.constant 0 : i32
        %parallel_loop3A_219 = arith.cmpi ne, %parallel_loop3A_217, %parallel_loop3A_218 : i32
        %parallel_loop3A_220 = arith.constant 0 : i32
        %parallel_loop3A_221 = arith.cmpi slt, %parallel_loop3A_217, %parallel_loop3A_220 : i32
        %parallel_loop3A_222 = arith.constant 0 : i32
        %parallel_loop3A_223 = arith.cmpi slt, %parallel_loop3A_216, %parallel_loop3A_222 : i32
        %parallel_loop3A_224 = arith.xori %parallel_loop3A_221, %parallel_loop3A_223 : i1
        %parallel_loop3A_225 = arith.andi %parallel_loop3A_224, %parallel_loop3A_219 : i1
        %parallel_loop3A_226 = arith.addi %parallel_loop3A_217, %parallel_loop3A_216 : i32
        %parallel_loop3A_227 = arith.select %parallel_loop3A_225, %parallel_loop3A_226, %parallel_loop3A_217 : i32
        %parallel_loop3A_228 = arith.addi %mul3A_13, %parallel_loop3A_211 : i32
        %parallel_loop3A_229 = arith.constant 32 : i32
        %parallel_loop3A_230 = arith.muli %parallel_loop3A_187, %parallel_loop3A_229 : i32
        %parallel_loop3A_231 = arith.index_cast %parallel_loop3A_187 : i32 to index
        %parallel_loop3A_232 = arith.constant 0 : index
        %parallel_loop3A_233 = tpu.vector_load %arg7[%parallel_loop3A_231, %parallel_loop3A_232] {strides = array<i32>} : memref<1024x32xf32, #tpu.memory_space<vmem>>, vector<16xf32>,
        %parallel_loop3A_234 = arith.index_cast %parallel_loop3A_228 : i32 to index
        %parallel_loop3A_235 = arith.constant 0 : index
        %parallel_loop3A_236 = tpu.vector_load %arg10[%parallel_loop3A_234, %parallel_loop3A_235] {strides = array<i32>} : memref<200x32xf32, #tpu.memory_space<vmem>>, vector<16xf32>,
        %parallel_loop3A_237 = arith.addf %parallel_loop3A_233, %parallel_loop3A_236 : vector<16xf32>
        %parallel_loop3A_238 = arith.index_cast %parallel_loop3A_187 : i32 to index
        %parallel_loop3A_239 = arith.constant 16 : index
        %parallel_loop3A_240 = tpu.vector_load %arg7[%parallel_loop3A_238, %parallel_loop3A_239] {strides = array<i32>} : memref<1024x32xf32, #tpu.memory_space<vmem>>, vector<16xf32>,
        %parallel_loop3A_241 = arith.index_cast %parallel_loop3A_228 : i32 to index
        %parallel_loop3A_242 = arith.constant 16 : index
        %parallel_loop3A_243 = tpu.vector_load %arg10[%parallel_loop3A_241, %parallel_loop3A_242] {strides = array<i32>} : memref<200x32xf32, #tpu.memory_space<vmem>>, vector<16xf32>,
        %parallel_loop3A_244 = arith.addf %parallel_loop3A_240, %parallel_loop3A_243 : vector<16xf32>
        %parallel_loop3A_245 = vector.broadcast %parallel_loop3A_227 : i32 to vector<16xi32>
        %parallel_loop3A_246 = arith.addi %iota3A, %parallel_loop3A_245 : vector<16xi32>
        %parallel_loop3A_247 = arith.constant 31 : i32
        %parallel_loop3A_248 = vector.broadcast %parallel_loop3A_247 : i32 to vector<16xi32>
        %parallel_loop3A_249 = arith.andi %parallel_loop3A_246, %parallel_loop3A_248 : vector<16xi32>
        %parallel_loop3A_250 = vector.broadcast %parallel_loop3A_230 : i32 to vector<16xi32>
        %parallel_loop3A_251 = arith.addi %parallel_loop3A_250, %parallel_loop3A_249 : vector<16xi32>
        tpu.vector_store_idx %arg8[%parallel_loop3A_251], %parallel_loop3A_237 : memref<32768xf32, #tpu.memory_space<vmem>>[vector<16xi32>], vector<16xf32>,
        %parallel_loop3A_252 = arith.constant 16 : i32
        %parallel_loop3A_253 = arith.addi %parallel_loop3A_227, %parallel_loop3A_252 : i32
        %parallel_loop3A_254 = vector.broadcast %parallel_loop3A_253 : i32 to vector<16xi32>
        %parallel_loop3A_255 = arith.addi %iota3A, %parallel_loop3A_254 : vector<16xi32>
        %parallel_loop3A_256 = arith.constant 31 : i32
        %parallel_loop3A_257 = vector.broadcast %parallel_loop3A_256 : i32 to vector<16xi32>
        %parallel_loop3A_258 = arith.andi %parallel_loop3A_255, %parallel_loop3A_257 : vector<16xi32>
        %parallel_loop3A_259 = vector.broadcast %parallel_loop3A_230 : i32 to vector<16xi32>
        %parallel_loop3A_260 = arith.addi %parallel_loop3A_259, %parallel_loop3A_258 : vector<16xi32>
        tpu.vector_store_idx %arg8[%parallel_loop3A_260], %parallel_loop3A_244 : memref<32768xf32, #tpu.memory_space<vmem>>[vector<16xi32>], vector<16xf32>,
      } {sc.loop_unroll_factor = 8 : i64, sc.parallel_access}
      %parallel_loop3A_177 = arith.constant 0 : i32
      %parallel_loop3A_178 = arith.constant 256 : i32
      %parallel_loop3A_179 = arith.constant 1 : i32
      scf.for %parallel_loop3A_187 = %parallel_loop3A_177 to %parallel_loop3A_178 step %parallel_loop3A_179  : i32 {
        %parallel_loop3A_188 = arith.constant 32 : i32
        %parallel_loop3A_189 = arith.divsi %parallel_loop3A_187, %parallel_loop3A_188 : i32
        %parallel_loop3A_190 = arith.constant 0 : i32
        %parallel_loop3A_191 = arith.cmpi sgt, %parallel_loop3A_187, %parallel_loop3A_190 : i32
        %parallel_loop3A_192 = arith.extui %parallel_loop3A_191 : i1 to i32
        %parallel_loop3A_193 = arith.constant 0 : i32
        %parallel_loop3A_194 = arith.cmpi slt, %parallel_loop3A_187, %parallel_loop3A_193 : i32
        %parallel_loop3A_195 = arith.extui %parallel_loop3A_194 : i1 to i32
        %parallel_loop3A_196 = arith.subi %parallel_loop3A_192, %parallel_loop3A_195 : i32
        %parallel_loop3A_197 = arith.constant 0 : i32
        %parallel_loop3A_198 = arith.cmpi sgt, %parallel_loop3A_188, %parallel_loop3A_197 : i32
        %parallel_loop3A_199 = arith.extui %parallel_loop3A_198 : i1 to i32
        %parallel_loop3A_200 = arith.constant 0 : i32
        %parallel_loop3A_201 = arith.cmpi slt, %parallel_loop3A_188, %parallel_loop3A_200 : i32
        %parallel_loop3A_202 = arith.extui %parallel_loop3A_201 : i1 to i32
        %parallel_loop3A_203 = arith.subi %parallel_loop3A_199, %parallel_loop3A_202 : i32
        %parallel_loop3A_204 = arith.cmpi ne, %parallel_loop3A_196, %parallel_loop3A_203 : i32
        %parallel_loop3A_205 = arith.remsi %parallel_loop3A_187, %parallel_loop3A_188 : i32
        %parallel_loop3A_206 = arith.constant 0 : i32
        %parallel_loop3A_207 = arith.cmpi ne, %parallel_loop3A_205, %parallel_loop3A_206 : i32
        %parallel_loop3A_208 = arith.andi %parallel_loop3A_204, %parallel_loop3A_207 : i1
        %parallel_loop3A_209 = arith.constant 1 : i32
        %parallel_loop3A_210 = arith.subi %parallel_loop3A_189, %parallel_loop3A_209 : i32
        %parallel_loop3A_211 = arith.select %parallel_loop3A_208, %parallel_loop3A_210, %parallel_loop3A_189 : i32
        %parallel_loop3A_212 = arith.constant 32 : i32
        %parallel_loop3A_213 = arith.constant 0 : i32
        %parallel_loop3A_214 = arith.cmpi eq, %parallel_loop3A_212, %parallel_loop3A_213 : i32
        %parallel_loop3A_215 = arith.constant 1 : i32
        %parallel_loop3A_216 = arith.select %parallel_loop3A_214, %parallel_loop3A_215, %parallel_loop3A_212 : i32
        %parallel_loop3A_217 = arith.remsi %parallel_loop3A_187, %parallel_loop3A_216 : i32
        %parallel_loop3A_218 = arith.constant 0 : i32
        %parallel_loop3A_219 = arith.cmpi ne, %parallel_loop3A_217, %parallel_loop3A_218 : i32
        %parallel_loop3A_220 = arith.constant 0 : i32
        %parallel_loop3A_221 = arith.cmpi slt, %parallel_loop3A_217, %parallel_loop3A_220 : i32
        %parallel_loop3A_222 = arith.constant 0 : i32
        %parallel_loop3A_223 = arith.cmpi slt, %parallel_loop3A_216, %parallel_loop3A_222 : i32
        %parallel_loop3A_224 = arith.xori %parallel_loop3A_221, %parallel_loop3A_223 : i1
        %parallel_loop3A_225 = arith.andi %parallel_loop3A_224, %parallel_loop3A_219 : i1
        %parallel_loop3A_226 = arith.addi %parallel_loop3A_217, %parallel_loop3A_216 : i32
        %parallel_loop3A_227 = arith.select %parallel_loop3A_225, %parallel_loop3A_226, %parallel_loop3A_217 : i32
        %parallel_loop3A_228 = arith.constant 0 : i32
        %parallel_loop3A_229 = vector.broadcast %parallel_loop3A_228 : i32 to vector<16xi32>
        %parallel_loop3A_230 = arith.addi %iota3A, %parallel_loop3A_229 : vector<16xi32>
        %parallel_loop3A_231 = arith.constant 128 : i32
        %parallel_loop3A_232 = arith.muli %parallel_loop3A_211, %parallel_loop3A_231 : i32
        %parallel_loop3A_233 = arith.constant 0 : i32
        %parallel_loop3A_234 = arith.addi %parallel_loop3A_232, %parallel_loop3A_233 : i32
        %parallel_loop3A_235 = arith.constant 32 : i32
        %parallel_loop3A_236 = arith.muli %parallel_loop3A_234, %parallel_loop3A_235 : i32
        %parallel_loop3A_237 = vector.broadcast %parallel_loop3A_236 : i32 to vector<16xi32>
        %parallel_loop3A_238 = arith.addi %mul3A_5, %parallel_loop3A_237 : vector<16xi32>
        %parallel_loop3A_239 = vector.broadcast %parallel_loop3A_227 : i32 to vector<16xi32>
        %parallel_loop3A_240 = arith.addi %parallel_loop3A_230, %parallel_loop3A_239 : vector<16xi32>
        %parallel_loop3A_241 = arith.constant 31 : i32
        %parallel_loop3A_242 = vector.broadcast %parallel_loop3A_241 : i32 to vector<16xi32>
        %parallel_loop3A_243 = arith.andi %parallel_loop3A_240, %parallel_loop3A_242 : vector<16xi32>
        %parallel_loop3A_244 = arith.addi %parallel_loop3A_238, %parallel_loop3A_243 : vector<16xi32>
        %parallel_loop3A_245 = tpu.vector_load_idx %arg8[%parallel_loop3A_244] : memref<32768xf32, #tpu.memory_space<vmem>>[vector<16xi32>], vector<16xf32>,
        %parallel_loop3A_246 = arith.constant 8 : i32
        %parallel_loop3A_247 = arith.divsi %parallel_loop3A_227, %parallel_loop3A_246 : i32
        %parallel_loop3A_248 = arith.constant 0 : i32
        %parallel_loop3A_249 = arith.cmpi sgt, %parallel_loop3A_227, %parallel_loop3A_248 : i32
        %parallel_loop3A_250 = arith.extui %parallel_loop3A_249 : i1 to i32
        %parallel_loop3A_251 = arith.constant 0 : i32
        %parallel_loop3A_252 = arith.cmpi slt, %parallel_loop3A_227, %parallel_loop3A_251 : i32
        %parallel_loop3A_253 = arith.extui %parallel_loop3A_252 : i1 to i32
        %parallel_loop3A_254 = arith.subi %parallel_loop3A_250, %parallel_loop3A_253 : i32
        %parallel_loop3A_255 = arith.constant 0 : i32
        %parallel_loop3A_256 = arith.cmpi sgt, %parallel_loop3A_246, %parallel_loop3A_255 : i32
        %parallel_loop3A_257 = arith.extui %parallel_loop3A_256 : i1 to i32
        %parallel_loop3A_258 = arith.constant 0 : i32
        %parallel_loop3A_259 = arith.cmpi slt, %parallel_loop3A_246, %parallel_loop3A_258 : i32
        %parallel_loop3A_260 = arith.extui %parallel_loop3A_259 : i1 to i32
        %parallel_loop3A_261 = arith.subi %parallel_loop3A_257, %parallel_loop3A_260 : i32
        %parallel_loop3A_262 = arith.cmpi ne, %parallel_loop3A_254, %parallel_loop3A_261 : i32
        %parallel_loop3A_263 = arith.remsi %parallel_loop3A_227, %parallel_loop3A_246 : i32
        %parallel_loop3A_264 = arith.constant 0 : i32
        %parallel_loop3A_265 = arith.cmpi ne, %parallel_loop3A_263, %parallel_loop3A_264 : i32
        %parallel_loop3A_266 = arith.andi %parallel_loop3A_262, %parallel_loop3A_265 : i1
        %parallel_loop3A_267 = arith.constant 1 : i32
        %parallel_loop3A_268 = arith.subi %parallel_loop3A_247, %parallel_loop3A_267 : i32
        %parallel_loop3A_269 = arith.select %parallel_loop3A_266, %parallel_loop3A_268, %parallel_loop3A_247 : i32
        %parallel_loop3A_270 = arith.constant 8 : i32
        %parallel_loop3A_271 = arith.constant 0 : i32
        %parallel_loop3A_272 = arith.cmpi eq, %parallel_loop3A_270, %parallel_loop3A_271 : i32
        %parallel_loop3A_273 = arith.constant 1 : i32
        %parallel_loop3A_274 = arith.select %parallel_loop3A_272, %parallel_loop3A_273, %parallel_loop3A_270 : i32
        %parallel_loop3A_275 = arith.remsi %parallel_loop3A_227, %parallel_loop3A_274 : i32
        %parallel_loop3A_276 = arith.constant 0 : i32
        %parallel_loop3A_277 = arith.cmpi ne, %parallel_loop3A_275, %parallel_loop3A_276 : i32
        %parallel_loop3A_278 = arith.constant 0 : i32
        %parallel_loop3A_279 = arith.cmpi slt, %parallel_loop3A_275, %parallel_loop3A_278 : i32
        %parallel_loop3A_280 = arith.constant 0 : i32
        %parallel_loop3A_281 = arith.cmpi slt, %parallel_loop3A_274, %parallel_loop3A_280 : i32
        %parallel_loop3A_282 = arith.xori %parallel_loop3A_279, %parallel_loop3A_281 : i1
        %parallel_loop3A_283 = arith.andi %parallel_loop3A_282, %parallel_loop3A_277 : i1
        %parallel_loop3A_284 = arith.addi %parallel_loop3A_275, %parallel_loop3A_274 : i32
        %parallel_loop3A_285 = arith.select %parallel_loop3A_283, %parallel_loop3A_284, %parallel_loop3A_275 : i32
        %parallel_loop3A_286 = arith.index_cast %parallel_loop3A_269 : i32 to index
        %parallel_loop3A_287 = arith.index_cast %parallel_loop3A_211 : i32 to index
        %parallel_loop3A_288 = arith.index_cast %parallel_loop3A_285 : i32 to index
        %parallel_loop3A_289 = arith.constant 0 : index
        %parallel_loop3A_290 = tpu.vector_load %arg9[%parallel_loop3A_286, %parallel_loop3A_287, %parallel_loop3A_288, %parallel_loop3A_289] {strides = array<i32>} : memref<4x8x8x128xf32, #tpu.memory_space<vmem>>, vector<16xf32>,
        tpu.vector_store %arg9[%parallel_loop3A_286, %parallel_loop3A_287, %parallel_loop3A_288, %parallel_loop3A_289], %parallel_loop3A_245 {strides = array<i32>} : memref<4x8x8x128xf32, #tpu.memory_space<vmem>>, vector<16xf32>,
        %parallel_loop3A_291 = arith.constant 16 : i32
        %parallel_loop3A_292 = vector.broadcast %parallel_loop3A_291 : i32 to vector<16xi32>
        %parallel_loop3A_293 = arith.addi %iota3A, %parallel_loop3A_292 : vector<16xi32>
        %parallel_loop3A_294 = arith.constant 128 : i32
        %parallel_loop3A_295 = arith.muli %parallel_loop3A_211, %parallel_loop3A_294 : i32
        %parallel_loop3A_296 = arith.constant 16 : i32
        %parallel_loop3A_297 = arith.addi %parallel_loop3A_295, %parallel_loop3A_296 : i32
        %parallel_loop3A_298 = arith.constant 32 : i32
        %parallel_loop3A_299 = arith.muli %parallel_loop3A_297, %parallel_loop3A_298 : i32
        %parallel_loop3A_300 = vector.broadcast %parallel_loop3A_299 : i32 to vector<16xi32>
        %parallel_loop3A_301 = arith.addi %mul3A_5, %parallel_loop3A_300 : vector<16xi32>
        %parallel_loop3A_302 = vector.broadcast %parallel_loop3A_227 : i32 to vector<16xi32>
        %parallel_loop3A_303 = arith.addi %parallel_loop3A_293, %parallel_loop3A_302 : vector<16xi32>
        %parallel_loop3A_304 = arith.constant 31 : i32
        %parallel_loop3A_305 = vector.broadcast %parallel_loop3A_304 : i32 to vector<16xi32>
        %parallel_loop3A_306 = arith.andi %parallel_loop3A_303, %parallel_loop3A_305 : vector<16xi32>
        %parallel_loop3A_307 = arith.addi %parallel_loop3A_301, %parallel_loop3A_306 : vector<16xi32>
        %parallel_loop3A_308 = tpu.vector_load_idx %arg8[%parallel_loop3A_307] : memref<32768xf32, #tpu.memory_space<vmem>>[vector<16xi32>], vector<16xf32>,
        %parallel_loop3A_309 = arith.constant 8 : i32
        %parallel_loop3A_310 = arith.divsi %parallel_loop3A_227, %parallel_loop3A_309 : i32
        %parallel_loop3A_311 = arith.constant 0 : i32
        %parallel_loop3A_312 = arith.cmpi sgt, %parallel_loop3A_227, %parallel_loop3A_311 : i32
        %parallel_loop3A_313 = arith.extui %parallel_loop3A_312 : i1 to i32
        %parallel_loop3A_314 = arith.constant 0 : i32
        %parallel_loop3A_315 = arith.cmpi slt, %parallel_loop3A_227, %parallel_loop3A_314 : i32
        %parallel_loop3A_316 = arith.extui %parallel_loop3A_315 : i1 to i32
        %parallel_loop3A_317 = arith.subi %parallel_loop3A_313, %parallel_loop3A_316 : i32
        %parallel_loop3A_318 = arith.constant 0 : i32
        %parallel_loop3A_319 = arith.cmpi sgt, %parallel_loop3A_309, %parallel_loop3A_318 : i32
        %parallel_loop3A_320 = arith.extui %parallel_loop3A_319 : i1 to i32
        %parallel_loop3A_321 = arith.constant 0 : i32
        %parallel_loop3A_322 = arith.cmpi slt, %parallel_loop3A_309, %parallel_loop3A_321 : i32
        %parallel_loop3A_323 = arith.extui %parallel_loop3A_322 : i1 to i32
        %parallel_loop3A_324 = arith.subi %parallel_loop3A_320, %parallel_loop3A_323 : i32
        %parallel_loop3A_325 = arith.cmpi ne, %parallel_loop3A_317, %parallel_loop3A_324 : i32
        %parallel_loop3A_326 = arith.remsi %parallel_loop3A_227, %parallel_loop3A_309 : i32
        %parallel_loop3A_327 = arith.constant 0 : i32
        %parallel_loop3A_328 = arith.cmpi ne, %parallel_loop3A_326, %parallel_loop3A_327 : i32
        %parallel_loop3A_329 = arith.andi %parallel_loop3A_325, %parallel_loop3A_328 : i1
        %parallel_loop3A_330 = arith.constant 1 : i32
        %parallel_loop3A_331 = arith.subi %parallel_loop3A_310, %parallel_loop3A_330 : i32
        %parallel_loop3A_332 = arith.select %parallel_loop3A_329, %parallel_loop3A_331, %parallel_loop3A_310 : i32
        %parallel_loop3A_333 = arith.constant 8 : i32
        %parallel_loop3A_334 = arith.constant 0 : i32
        %parallel_loop3A_335 = arith.cmpi eq, %parallel_loop3A_333, %parallel_loop3A_334 : i32
        %parallel_loop3A_336 = arith.constant 1 : i32
        %parallel_loop3A_337 = arith.select %parallel_loop3A_335, %parallel_loop3A_336, %parallel_loop3A_333 : i32
        %parallel_loop3A_338 = arith.remsi %parallel_loop3A_227, %parallel_loop3A_337 : i32
        %parallel_loop3A_339 = arith.constant 0 : i32
        %parallel_loop3A_340 = arith.cmpi ne, %parallel_loop3A_338, %parallel_loop3A_339 : i32
        %parallel_loop3A_341 = arith.constant 0 : i32
        %parallel_loop3A_342 = arith.cmpi slt, %parallel_loop3A_338, %parallel_loop3A_341 : i32
        %parallel_loop3A_343 = arith.constant 0 : i32
        %parallel_loop3A_344 = arith.cmpi slt, %parallel_loop3A_337, %parallel_loop3A_343 : i32
        %parallel_loop3A_345 = arith.xori %parallel_loop3A_342, %parallel_loop3A_344 : i1
        %parallel_loop3A_346 = arith.andi %parallel_loop3A_345, %parallel_loop3A_340 : i1
        %parallel_loop3A_347 = arith.addi %parallel_loop3A_338, %parallel_loop3A_337 : i32
        %parallel_loop3A_348 = arith.select %parallel_loop3A_346, %parallel_loop3A_347, %parallel_loop3A_338 : i32
        %parallel_loop3A_349 = arith.index_cast %parallel_loop3A_332 : i32 to index
        %parallel_loop3A_350 = arith.index_cast %parallel_loop3A_211 : i32 to index
        %parallel_loop3A_351 = arith.index_cast %parallel_loop3A_348 : i32 to index
        %parallel_loop3A_352 = arith.constant 16 : index
        %parallel_loop3A_353 = tpu.vector_load %arg9[%parallel_loop3A_349, %parallel_loop3A_350, %parallel_loop3A_351, %parallel_loop3A_352] {strides = array<i32>} : memref<4x8x8x128xf32, #tpu.memory_space<vmem>>, vector<16xf32>,
        tpu.vector_store %arg9[%parallel_loop3A_349, %parallel_loop3A_350, %parallel_loop3A_351, %parallel_loop3A_352], %parallel_loop3A_308 {strides = array<i32>} : memref<4x8x8x128xf32, #tpu.memory_space<vmem>>, vector<16xf32>,
        %parallel_loop3A_354 = arith.constant 32 : i32
        %parallel_loop3A_355 = vector.broadcast %parallel_loop3A_354 : i32 to vector<16xi32>
        %parallel_loop3A_356 = arith.addi %iota3A, %parallel_loop3A_355 : vector<16xi32>
        %parallel_loop3A_357 = arith.constant 128 : i32
        %parallel_loop3A_358 = arith.muli %parallel_loop3A_211, %parallel_loop3A_357 : i32
        %parallel_loop3A_359 = arith.constant 32 : i32
        %parallel_loop3A_360 = arith.addi %parallel_loop3A_358, %parallel_loop3A_359 : i32
        %parallel_loop3A_361 = arith.constant 32 : i32
        %parallel_loop3A_362 = arith.muli %parallel_loop3A_360, %parallel_loop3A_361 : i32
        %parallel_loop3A_363 = vector.broadcast %parallel_loop3A_362 : i32 to vector<16xi32>
        %parallel_loop3A_364 = arith.addi %mul3A_5, %parallel_loop3A_363 : vector<16xi32>
        %parallel_loop3A_365 = vector.broadcast %parallel_loop3A_227 : i32 to vector<16xi32>
        %parallel_loop3A_366 = arith.addi %parallel_loop3A_356, %parallel_loop3A_365 : vector<16xi32>
        %parallel_loop3A_367 = arith.constant 31 : i32
        %parallel_loop3A_368 = vector.broadcast %parallel_loop3A_367 : i32 to vector<16xi32>
        %parallel_loop3A_369 = arith.andi %parallel_loop3A_366, %parallel_loop3A_368 : vector<16xi32>
        %parallel_loop3A_370 = arith.addi %parallel_loop3A_364, %parallel_loop3A_369 : vector<16xi32>
        %parallel_loop3A_371 = tpu.vector_load_idx %arg8[%parallel_loop3A_370] : memref<32768xf32, #tpu.memory_space<vmem>>[vector<16xi32>], vector<16xf32>,
        %parallel_loop3A_372 = arith.constant 8 : i32
        %parallel_loop3A_373 = arith.divsi %parallel_loop3A_227, %parallel_loop3A_372 : i32
        %parallel_loop3A_374 = arith.constant 0 : i32
        %parallel_loop3A_375 = arith.cmpi sgt, %parallel_loop3A_227, %parallel_loop3A_374 : i32
        %parallel_loop3A_376 = arith.extui %parallel_loop3A_375 : i1 to i32
        %parallel_loop3A_377 = arith.constant 0 : i32
        %parallel_loop3A_378 = arith.cmpi slt, %parallel_loop3A_227, %parallel_loop3A_377 : i32
        %parallel_loop3A_379 = arith.extui %parallel_loop3A_378 : i1 to i32
        %parallel_loop3A_380 = arith.subi %parallel_loop3A_376, %parallel_loop3A_379 : i32
        %parallel_loop3A_381 = arith.constant 0 : i32
        %parallel_loop3A_382 = arith.cmpi sgt, %parallel_loop3A_372, %parallel_loop3A_381 : i32
        %parallel_loop3A_383 = arith.extui %parallel_loop3A_382 : i1 to i32
        %parallel_loop3A_384 = arith.constant 0 : i32
        %parallel_loop3A_385 = arith.cmpi slt, %parallel_loop3A_372, %parallel_loop3A_384 : i32
        %parallel_loop3A_386 = arith.extui %parallel_loop3A_385 : i1 to i32
        %parallel_loop3A_387 = arith.subi %parallel_loop3A_383, %parallel_loop3A_386 : i32
        %parallel_loop3A_388 = arith.cmpi ne, %parallel_loop3A_380, %parallel_loop3A_387 : i32
        %parallel_loop3A_389 = arith.remsi %parallel_loop3A_227, %parallel_loop3A_372 : i32
        %parallel_loop3A_390 = arith.constant 0 : i32
        %parallel_loop3A_391 = arith.cmpi ne, %parallel_loop3A_389, %parallel_loop3A_390 : i32
        %parallel_loop3A_392 = arith.andi %parallel_loop3A_388, %parallel_loop3A_391 : i1
        %parallel_loop3A_393 = arith.constant 1 : i32
        %parallel_loop3A_394 = arith.subi %parallel_loop3A_373, %parallel_loop3A_393 : i32
        %parallel_loop3A_395 = arith.select %parallel_loop3A_392, %parallel_loop3A_394, %parallel_loop3A_373 : i32
        %parallel_loop3A_396 = arith.constant 8 : i32
        %parallel_loop3A_397 = arith.constant 0 : i32
        %parallel_loop3A_398 = arith.cmpi eq, %parallel_loop3A_396, %parallel_loop3A_397 : i32
        %parallel_loop3A_399 = arith.constant 1 : i32
        %parallel_loop3A_400 = arith.select %parallel_loop3A_398, %parallel_loop3A_399, %parallel_loop3A_396 : i32
        %parallel_loop3A_401 = arith.remsi %parallel_loop3A_227, %parallel_loop3A_400 : i32
        %parallel_loop3A_402 = arith.constant 0 : i32
        %parallel_loop3A_403 = arith.cmpi ne, %parallel_loop3A_401, %parallel_loop3A_402 : i32
        %parallel_loop3A_404 = arith.constant 0 : i32
        %parallel_loop3A_405 = arith.cmpi slt, %parallel_loop3A_401, %parallel_loop3A_404 : i32
        %parallel_loop3A_406 = arith.constant 0 : i32
        %parallel_loop3A_407 = arith.cmpi slt, %parallel_loop3A_400, %parallel_loop3A_406 : i32
        %parallel_loop3A_408 = arith.xori %parallel_loop3A_405, %parallel_loop3A_407 : i1
        %parallel_loop3A_409 = arith.andi %parallel_loop3A_408, %parallel_loop3A_403 : i1
        %parallel_loop3A_410 = arith.addi %parallel_loop3A_401, %parallel_loop3A_400 : i32
        %parallel_loop3A_411 = arith.select %parallel_loop3A_409, %parallel_loop3A_410, %parallel_loop3A_401 : i32
        %parallel_loop3A_412 = arith.index_cast %parallel_loop3A_395 : i32 to index
        %parallel_loop3A_413 = arith.index_cast %parallel_loop3A_211 : i32 to index
        %parallel_loop3A_414 = arith.index_cast %parallel_loop3A_411 : i32 to index
        %parallel_loop3A_415 = arith.constant 32 : index
        %parallel_loop3A_416 = tpu.vector_load %arg9[%parallel_loop3A_412, %parallel_loop3A_413, %parallel_loop3A_414, %parallel_loop3A_415] {strides = array<i32>} : memref<4x8x8x128xf32, #tpu.memory_space<vmem>>, vector<16xf32>,
        tpu.vector_store %arg9[%parallel_loop3A_412, %parallel_loop3A_413, %parallel_loop3A_414, %parallel_loop3A_415], %parallel_loop3A_371 {strides = array<i32>} : memref<4x8x8x128xf32, #tpu.memory_space<vmem>>, vector<16xf32>,
        %parallel_loop3A_417 = arith.constant 48 : i32
        %parallel_loop3A_418 = vector.broadcast %parallel_loop3A_417 : i32 to vector<16xi32>
        %parallel_loop3A_419 = arith.addi %iota3A, %parallel_loop3A_418 : vector<16xi32>
        %parallel_loop3A_420 = arith.constant 128 : i32
        %parallel_loop3A_421 = arith.muli %parallel_loop3A_211, %parallel_loop3A_420 : i32
        %parallel_loop3A_422 = arith.constant 48 : i32
        %parallel_loop3A_423 = arith.addi %parallel_loop3A_421, %parallel_loop3A_422 : i32
        %parallel_loop3A_424 = arith.constant 32 : i32
        %parallel_loop3A_425 = arith.muli %parallel_loop3A_423, %parallel_loop3A_424 : i32
        %parallel_loop3A_426 = vector.broadcast %parallel_loop3A_425 : i32 to vector<16xi32>
        %parallel_loop3A_427 = arith.addi %mul3A_5, %parallel_loop3A_426 : vector<16xi32>
        %parallel_loop3A_428 = vector.broadcast %parallel_loop3A_227 : i32 to vector<16xi32>
        %parallel_loop3A_429 = arith.addi %parallel_loop3A_419, %parallel_loop3A_428 : vector<16xi32>
        %parallel_loop3A_430 = arith.constant 31 : i32
        %parallel_loop3A_431 = vector.broadcast %parallel_loop3A_430 : i32 to vector<16xi32>
        %parallel_loop3A_432 = arith.andi %parallel_loop3A_429, %parallel_loop3A_431 : vector<16xi32>
        %parallel_loop3A_433 = arith.addi %parallel_loop3A_427, %parallel_loop3A_432 : vector<16xi32>
        %parallel_loop3A_434 = tpu.vector_load_idx %arg8[%parallel_loop3A_433] : memref<32768xf32, #tpu.memory_space<vmem>>[vector<16xi32>], vector<16xf32>,
        %parallel_loop3A_435 = arith.constant 8 : i32
        %parallel_loop3A_436 = arith.divsi %parallel_loop3A_227, %parallel_loop3A_435 : i32
        %parallel_loop3A_437 = arith.constant 0 : i32
        %parallel_loop3A_438 = arith.cmpi sgt, %parallel_loop3A_227, %parallel_loop3A_437 : i32
        %parallel_loop3A_439 = arith.extui %parallel_loop3A_438 : i1 to i32
        %parallel_loop3A_440 = arith.constant 0 : i32
        %parallel_loop3A_441 = arith.cmpi slt, %parallel_loop3A_227, %parallel_loop3A_440 : i32
        %parallel_loop3A_442 = arith.extui %parallel_loop3A_441 : i1 to i32
        %parallel_loop3A_443 = arith.subi %parallel_loop3A_439, %parallel_loop3A_442 : i32
        %parallel_loop3A_444 = arith.constant 0 : i32
        %parallel_loop3A_445 = arith.cmpi sgt, %parallel_loop3A_435, %parallel_loop3A_444 : i32
        %parallel_loop3A_446 = arith.extui %parallel_loop3A_445 : i1 to i32
        %parallel_loop3A_447 = arith.constant 0 : i32
        %parallel_loop3A_448 = arith.cmpi slt, %parallel_loop3A_435, %parallel_loop3A_447 : i32
        %parallel_loop3A_449 = arith.extui %parallel_loop3A_448 : i1 to i32
        %parallel_loop3A_450 = arith.subi %parallel_loop3A_446, %parallel_loop3A_449 : i32
        %parallel_loop3A_451 = arith.cmpi ne, %parallel_loop3A_443, %parallel_loop3A_450 : i32
        %parallel_loop3A_452 = arith.remsi %parallel_loop3A_227, %parallel_loop3A_435 : i32
        %parallel_loop3A_453 = arith.constant 0 : i32
        %parallel_loop3A_454 = arith.cmpi ne, %parallel_loop3A_452, %parallel_loop3A_453 : i32
        %parallel_loop3A_455 = arith.andi %parallel_loop3A_451, %parallel_loop3A_454 : i1
        %parallel_loop3A_456 = arith.constant 1 : i32
        %parallel_loop3A_457 = arith.subi %parallel_loop3A_436, %parallel_loop3A_456 : i32
        %parallel_loop3A_458 = arith.select %parallel_loop3A_455, %parallel_loop3A_457, %parallel_loop3A_436 : i32
        %parallel_loop3A_459 = arith.constant 8 : i32
        %parallel_loop3A_460 = arith.constant 0 : i32
        %parallel_loop3A_461 = arith.cmpi eq, %parallel_loop3A_459, %parallel_loop3A_460 : i32
        %parallel_loop3A_462 = arith.constant 1 : i32
        %parallel_loop3A_463 = arith.select %parallel_loop3A_461, %parallel_loop3A_462, %parallel_loop3A_459 : i32
        %parallel_loop3A_464 = arith.remsi %parallel_loop3A_227, %parallel_loop3A_463 : i32
        %parallel_loop3A_465 = arith.constant 0 : i32
        %parallel_loop3A_466 = arith.cmpi ne, %parallel_loop3A_464, %parallel_loop3A_465 : i32
        %parallel_loop3A_467 = arith.constant 0 : i32
        %parallel_loop3A_468 = arith.cmpi slt, %parallel_loop3A_464, %parallel_loop3A_467 : i32
        %parallel_loop3A_469 = arith.constant 0 : i32
        %parallel_loop3A_470 = arith.cmpi slt, %parallel_loop3A_463, %parallel_loop3A_469 : i32
        %parallel_loop3A_471 = arith.xori %parallel_loop3A_468, %parallel_loop3A_470 : i1
        %parallel_loop3A_472 = arith.andi %parallel_loop3A_471, %parallel_loop3A_466 : i1
        %parallel_loop3A_473 = arith.addi %parallel_loop3A_464, %parallel_loop3A_463 : i32
        %parallel_loop3A_474 = arith.select %parallel_loop3A_472, %parallel_loop3A_473, %parallel_loop3A_464 : i32
        %parallel_loop3A_475 = arith.index_cast %parallel_loop3A_458 : i32 to index
        %parallel_loop3A_476 = arith.index_cast %parallel_loop3A_211 : i32 to index
        %parallel_loop3A_477 = arith.index_cast %parallel_loop3A_474 : i32 to index
        %parallel_loop3A_478 = arith.constant 48 : index
        %parallel_loop3A_479 = tpu.vector_load %arg9[%parallel_loop3A_475, %parallel_loop3A_476, %parallel_loop3A_477, %parallel_loop3A_478] {strides = array<i32>} : memref<4x8x8x128xf32, #tpu.memory_space<vmem>>, vector<16xf32>,
        tpu.vector_store %arg9[%parallel_loop3A_475, %parallel_loop3A_476, %parallel_loop3A_477, %parallel_loop3A_478], %parallel_loop3A_434 {strides = array<i32>} : memref<4x8x8x128xf32, #tpu.memory_space<vmem>>, vector<16xf32>,
        %parallel_loop3A_480 = arith.constant 64 : i32
        %parallel_loop3A_481 = vector.broadcast %parallel_loop3A_480 : i32 to vector<16xi32>
        %parallel_loop3A_482 = arith.addi %iota3A, %parallel_loop3A_481 : vector<16xi32>
        %parallel_loop3A_483 = arith.constant 128 : i32
        %parallel_loop3A_484 = arith.muli %parallel_loop3A_211, %parallel_loop3A_483 : i32
        %parallel_loop3A_485 = arith.constant 64 : i32
        %parallel_loop3A_486 = arith.addi %parallel_loop3A_484, %parallel_loop3A_485 : i32
        %parallel_loop3A_487 = arith.constant 32 : i32
        %parallel_loop3A_488 = arith.muli %parallel_loop3A_486, %parallel_loop3A_487 : i32
        %parallel_loop3A_489 = vector.broadcast %parallel_loop3A_488 : i32 to vector<16xi32>
        %parallel_loop3A_490 = arith.addi %mul3A_5, %parallel_loop3A_489 : vector<16xi32>
        %parallel_loop3A_491 = vector.broadcast %parallel_loop3A_227 : i32 to vector<16xi32>
        %parallel_loop3A_492 = arith.addi %parallel_loop3A_482, %parallel_loop3A_491 : vector<16xi32>
        %parallel_loop3A_493 = arith.constant 31 : i32
        %parallel_loop3A_494 = vector.broadcast %parallel_loop3A_493 : i32 to vector<16xi32>
        %parallel_loop3A_495 = arith.andi %parallel_loop3A_492, %parallel_loop3A_494 : vector<16xi32>
        %parallel_loop3A_496 = arith.addi %parallel_loop3A_490, %parallel_loop3A_495 : vector<16xi32>
        %parallel_loop3A_497 = tpu.vector_load_idx %arg8[%parallel_loop3A_496] : memref<32768xf32, #tpu.memory_space<vmem>>[vector<16xi32>], vector<16xf32>,
        %parallel_loop3A_498 = arith.constant 8 : i32
        %parallel_loop3A_499 = arith.divsi %parallel_loop3A_227, %parallel_loop3A_498 : i32
        %parallel_loop3A_500 = arith.constant 0 : i32
        %parallel_loop3A_501 = arith.cmpi sgt, %parallel_loop3A_227, %parallel_loop3A_500 : i32
        %parallel_loop3A_502 = arith.extui %parallel_loop3A_501 : i1 to i32
        %parallel_loop3A_503 = arith.constant 0 : i32
        %parallel_loop3A_504 = arith.cmpi slt, %parallel_loop3A_227, %parallel_loop3A_503 : i32
        %parallel_loop3A_505 = arith.extui %parallel_loop3A_504 : i1 to i32
        %parallel_loop3A_506 = arith.subi %parallel_loop3A_502, %parallel_loop3A_505 : i32
        %parallel_loop3A_507 = arith.constant 0 : i32
        %parallel_loop3A_508 = arith.cmpi sgt, %parallel_loop3A_498, %parallel_loop3A_507 : i32
        %parallel_loop3A_509 = arith.extui %parallel_loop3A_508 : i1 to i32
        %parallel_loop3A_510 = arith.constant 0 : i32
        %parallel_loop3A_511 = arith.cmpi slt, %parallel_loop3A_498, %parallel_loop3A_510 : i32
        %parallel_loop3A_512 = arith.extui %parallel_loop3A_511 : i1 to i32
        %parallel_loop3A_513 = arith.subi %parallel_loop3A_509, %parallel_loop3A_512 : i32
        %parallel_loop3A_514 = arith.cmpi ne, %parallel_loop3A_506, %parallel_loop3A_513 : i32
        %parallel_loop3A_515 = arith.remsi %parallel_loop3A_227, %parallel_loop3A_498 : i32
        %parallel_loop3A_516 = arith.constant 0 : i32
        %parallel_loop3A_517 = arith.cmpi ne, %parallel_loop3A_515, %parallel_loop3A_516 : i32
        %parallel_loop3A_518 = arith.andi %parallel_loop3A_514, %parallel_loop3A_517 : i1
        %parallel_loop3A_519 = arith.constant 1 : i32
        %parallel_loop3A_520 = arith.subi %parallel_loop3A_499, %parallel_loop3A_519 : i32
        %parallel_loop3A_521 = arith.select %parallel_loop3A_518, %parallel_loop3A_520, %parallel_loop3A_499 : i32
        %parallel_loop3A_522 = arith.constant 8 : i32
        %parallel_loop3A_523 = arith.constant 0 : i32
        %parallel_loop3A_524 = arith.cmpi eq, %parallel_loop3A_522, %parallel_loop3A_523 : i32
        %parallel_loop3A_525 = arith.constant 1 : i32
        %parallel_loop3A_526 = arith.select %parallel_loop3A_524, %parallel_loop3A_525, %parallel_loop3A_522 : i32
        %parallel_loop3A_527 = arith.remsi %parallel_loop3A_227, %parallel_loop3A_526 : i32
        %parallel_loop3A_528 = arith.constant 0 : i32
        %parallel_loop3A_529 = arith.cmpi ne, %parallel_loop3A_527, %parallel_loop3A_528 : i32
        %parallel_loop3A_530 = arith.constant 0 : i32
        %parallel_loop3A_531 = arith.cmpi slt, %parallel_loop3A_527, %parallel_loop3A_530 : i32
        %parallel_loop3A_532 = arith.constant 0 : i32
        %parallel_loop3A_533 = arith.cmpi slt, %parallel_loop3A_526, %parallel_loop3A_532 : i32
        %parallel_loop3A_534 = arith.xori %parallel_loop3A_531, %parallel_loop3A_533 : i1
        %parallel_loop3A_535 = arith.andi %parallel_loop3A_534, %parallel_loop3A_529 : i1
        %parallel_loop3A_536 = arith.addi %parallel_loop3A_527, %parallel_loop3A_526 : i32
        %parallel_loop3A_537 = arith.select %parallel_loop3A_535, %parallel_loop3A_536, %parallel_loop3A_527 : i32
        %parallel_loop3A_538 = arith.index_cast %parallel_loop3A_521 : i32 to index
        %parallel_loop3A_539 = arith.index_cast %parallel_loop3A_211 : i32 to index
        %parallel_loop3A_540 = arith.index_cast %parallel_loop3A_537 : i32 to index
        %parallel_loop3A_541 = arith.constant 64 : index
        %parallel_loop3A_542 = tpu.vector_load %arg9[%parallel_loop3A_538, %parallel_loop3A_539, %parallel_loop3A_540, %parallel_loop3A_541] {strides = array<i32>} : memref<4x8x8x128xf32, #tpu.memory_space<vmem>>, vector<16xf32>,
        tpu.vector_store %arg9[%parallel_loop3A_538, %parallel_loop3A_539, %parallel_loop3A_540, %parallel_loop3A_541], %parallel_loop3A_497 {strides = array<i32>} : memref<4x8x8x128xf32, #tpu.memory_space<vmem>>, vector<16xf32>,
        %parallel_loop3A_543 = arith.constant 80 : i32
        %parallel_loop3A_544 = vector.broadcast %parallel_loop3A_543 : i32 to vector<16xi32>
        %parallel_loop3A_545 = arith.addi %iota3A, %parallel_loop3A_544 : vector<16xi32>
        %parallel_loop3A_546 = arith.constant 128 : i32
        %parallel_loop3A_547 = arith.muli %parallel_loop3A_211, %parallel_loop3A_546 : i32
        %parallel_loop3A_548 = arith.constant 80 : i32
        %parallel_loop3A_549 = arith.addi %parallel_loop3A_547, %parallel_loop3A_548 : i32
        %parallel_loop3A_550 = arith.constant 32 : i32
        %parallel_loop3A_551 = arith.muli %parallel_loop3A_549, %parallel_loop3A_550 : i32
        %parallel_loop3A_552 = vector.broadcast %parallel_loop3A_551 : i32 to vector<16xi32>
        %parallel_loop3A_553 = arith.addi %mul3A_5, %parallel_loop3A_552 : vector<16xi32>
        %parallel_loop3A_554 = vector.broadcast %parallel_loop3A_227 : i32 to vector<16xi32>
        %parallel_loop3A_555 = arith.addi %parallel_loop3A_545, %parallel_loop3A_554 : vector<16xi32>
        %parallel_loop3A_556 = arith.constant 31 : i32
        %parallel_loop3A_557 = vector.broadcast %parallel_loop3A_556 : i32 to vector<16xi32>
        %parallel_loop3A_558 = arith.andi %parallel_loop3A_555, %parallel_loop3A_557 : vector<16xi32>
        %parallel_loop3A_559 = arith.addi %parallel_loop3A_553, %parallel_loop3A_558 : vector<16xi32>
        %parallel_loop3A_560 = tpu.vector_load_idx %arg8[%parallel_loop3A_559] : memref<32768xf32, #tpu.memory_space<vmem>>[vector<16xi32>], vector<16xf32>,
        %parallel_loop3A_561 = arith.constant 8 : i32
        %parallel_loop3A_562 = arith.divsi %parallel_loop3A_227, %parallel_loop3A_561 : i32
        %parallel_loop3A_563 = arith.constant 0 : i32
        %parallel_loop3A_564 = arith.cmpi sgt, %parallel_loop3A_227, %parallel_loop3A_563 : i32
        %parallel_loop3A_565 = arith.extui %parallel_loop3A_564 : i1 to i32
        %parallel_loop3A_566 = arith.constant 0 : i32
        %parallel_loop3A_567 = arith.cmpi slt, %parallel_loop3A_227, %parallel_loop3A_566 : i32
        %parallel_loop3A_568 = arith.extui %parallel_loop3A_567 : i1 to i32
        %parallel_loop3A_569 = arith.subi %parallel_loop3A_565, %parallel_loop3A_568 : i32
        %parallel_loop3A_570 = arith.constant 0 : i32
        %parallel_loop3A_571 = arith.cmpi sgt, %parallel_loop3A_561, %parallel_loop3A_570 : i32
        %parallel_loop3A_572 = arith.extui %parallel_loop3A_571 : i1 to i32
        %parallel_loop3A_573 = arith.constant 0 : i32
        %parallel_loop3A_574 = arith.cmpi slt, %parallel_loop3A_561, %parallel_loop3A_573 : i32
        %parallel_loop3A_575 = arith.extui %parallel_loop3A_574 : i1 to i32
        %parallel_loop3A_576 = arith.subi %parallel_loop3A_572, %parallel_loop3A_575 : i32
        %parallel_loop3A_577 = arith.cmpi ne, %parallel_loop3A_569, %parallel_loop3A_576 : i32
        %parallel_loop3A_578 = arith.remsi %parallel_loop3A_227, %parallel_loop3A_561 : i32
        %parallel_loop3A_579 = arith.constant 0 : i32
        %parallel_loop3A_580 = arith.cmpi ne, %parallel_loop3A_578, %parallel_loop3A_579 : i32
        %parallel_loop3A_581 = arith.andi %parallel_loop3A_577, %parallel_loop3A_580 : i1
        %parallel_loop3A_582 = arith.constant 1 : i32
        %parallel_loop3A_583 = arith.subi %parallel_loop3A_562, %parallel_loop3A_582 : i32
        %parallel_loop3A_584 = arith.select %parallel_loop3A_581, %parallel_loop3A_583, %parallel_loop3A_562 : i32
        %parallel_loop3A_585 = arith.constant 8 : i32
        %parallel_loop3A_586 = arith.constant 0 : i32
        %parallel_loop3A_587 = arith.cmpi eq, %parallel_loop3A_585, %parallel_loop3A_586 : i32
        %parallel_loop3A_588 = arith.constant 1 : i32
        %parallel_loop3A_589 = arith.select %parallel_loop3A_587, %parallel_loop3A_588, %parallel_loop3A_585 : i32
        %parallel_loop3A_590 = arith.remsi %parallel_loop3A_227, %parallel_loop3A_589 : i32
        %parallel_loop3A_591 = arith.constant 0 : i32
        %parallel_loop3A_592 = arith.cmpi ne, %parallel_loop3A_590, %parallel_loop3A_591 : i32
        %parallel_loop3A_593 = arith.constant 0 : i32
        %parallel_loop3A_594 = arith.cmpi slt, %parallel_loop3A_590, %parallel_loop3A_593 : i32
        %parallel_loop3A_595 = arith.constant 0 : i32
        %parallel_loop3A_596 = arith.cmpi slt, %parallel_loop3A_589, %parallel_loop3A_595 : i32
        %parallel_loop3A_597 = arith.xori %parallel_loop3A_594, %parallel_loop3A_596 : i1
        %parallel_loop3A_598 = arith.andi %parallel_loop3A_597, %parallel_loop3A_592 : i1
        %parallel_loop3A_599 = arith.addi %parallel_loop3A_590, %parallel_loop3A_589 : i32
        %parallel_loop3A_600 = arith.select %parallel_loop3A_598, %parallel_loop3A_599, %parallel_loop3A_590 : i32
        %parallel_loop3A_601 = arith.index_cast %parallel_loop3A_584 : i32 to index
        %parallel_loop3A_602 = arith.index_cast %parallel_loop3A_211 : i32 to index
        %parallel_loop3A_603 = arith.index_cast %parallel_loop3A_600 : i32 to index
        %parallel_loop3A_604 = arith.constant 80 : index
        %parallel_loop3A_605 = tpu.vector_load %arg9[%parallel_loop3A_601, %parallel_loop3A_602, %parallel_loop3A_603, %parallel_loop3A_604] {strides = array<i32>} : memref<4x8x8x128xf32, #tpu.memory_space<vmem>>, vector<16xf32>,
        tpu.vector_store %arg9[%parallel_loop3A_601, %parallel_loop3A_602, %parallel_loop3A_603, %parallel_loop3A_604], %parallel_loop3A_560 {strides = array<i32>} : memref<4x8x8x128xf32, #tpu.memory_space<vmem>>, vector<16xf32>,
        %parallel_loop3A_606 = arith.constant 96 : i32
        %parallel_loop3A_607 = vector.broadcast %parallel_loop3A_606 : i32 to vector<16xi32>
        %parallel_loop3A_608 = arith.addi %iota3A, %parallel_loop3A_607 : vector<16xi32>
        %parallel_loop3A_609 = arith.constant 128 : i32
        %parallel_loop3A_610 = arith.muli %parallel_loop3A_211, %parallel_loop3A_609 : i32
        %parallel_loop3A_611 = arith.constant 96 : i32
        %parallel_loop3A_612 = arith.addi %parallel_loop3A_610, %parallel_loop3A_611 : i32
        %parallel_loop3A_613 = arith.constant 32 : i32
        %parallel_loop3A_614 = arith.muli %parallel_loop3A_612, %parallel_loop3A_613 : i32
        %parallel_loop3A_615 = vector.broadcast %parallel_loop3A_614 : i32 to vector<16xi32>
        %parallel_loop3A_616 = arith.addi %mul3A_5, %parallel_loop3A_615 : vector<16xi32>
        %parallel_loop3A_617 = vector.broadcast %parallel_loop3A_227 : i32 to vector<16xi32>
        %parallel_loop3A_618 = arith.addi %parallel_loop3A_608, %parallel_loop3A_617 : vector<16xi32>
        %parallel_loop3A_619 = arith.constant 31 : i32
        %parallel_loop3A_620 = vector.broadcast %parallel_loop3A_619 : i32 to vector<16xi32>
        %parallel_loop3A_621 = arith.andi %parallel_loop3A_618, %parallel_loop3A_620 : vector<16xi32>
        %parallel_loop3A_622 = arith.addi %parallel_loop3A_616, %parallel_loop3A_621 : vector<16xi32>
        %parallel_loop3A_623 = tpu.vector_load_idx %arg8[%parallel_loop3A_622] : memref<32768xf32, #tpu.memory_space<vmem>>[vector<16xi32>], vector<16xf32>,
        %parallel_loop3A_624 = arith.constant 8 : i32
        %parallel_loop3A_625 = arith.divsi %parallel_loop3A_227, %parallel_loop3A_624 : i32
        %parallel_loop3A_626 = arith.constant 0 : i32
        %parallel_loop3A_627 = arith.cmpi sgt, %parallel_loop3A_227, %parallel_loop3A_626 : i32
        %parallel_loop3A_628 = arith.extui %parallel_loop3A_627 : i1 to i32
        %parallel_loop3A_629 = arith.constant 0 : i32
        %parallel_loop3A_630 = arith.cmpi slt, %parallel_loop3A_227, %parallel_loop3A_629 : i32
        %parallel_loop3A_631 = arith.extui %parallel_loop3A_630 : i1 to i32
        %parallel_loop3A_632 = arith.subi %parallel_loop3A_628, %parallel_loop3A_631 : i32
        %parallel_loop3A_633 = arith.constant 0 : i32
        %parallel_loop3A_634 = arith.cmpi sgt, %parallel_loop3A_624, %parallel_loop3A_633 : i32
        %parallel_loop3A_635 = arith.extui %parallel_loop3A_634 : i1 to i32
        %parallel_loop3A_636 = arith.constant 0 : i32
        %parallel_loop3A_637 = arith.cmpi slt, %parallel_loop3A_624, %parallel_loop3A_636 : i32
        %parallel_loop3A_638 = arith.extui %parallel_loop3A_637 : i1 to i32
        %parallel_loop3A_639 = arith.subi %parallel_loop3A_635, %parallel_loop3A_638 : i32
        %parallel_loop3A_640 = arith.cmpi ne, %parallel_loop3A_632, %parallel_loop3A_639 : i32
        %parallel_loop3A_641 = arith.remsi %parallel_loop3A_227, %parallel_loop3A_624 : i32
        %parallel_loop3A_642 = arith.constant 0 : i32
        %parallel_loop3A_643 = arith.cmpi ne, %parallel_loop3A_641, %parallel_loop3A_642 : i32
        %parallel_loop3A_644 = arith.andi %parallel_loop3A_640, %parallel_loop3A_643 : i1
        %parallel_loop3A_645 = arith.constant 1 : i32
        %parallel_loop3A_646 = arith.subi %parallel_loop3A_625, %parallel_loop3A_645 : i32
        %parallel_loop3A_647 = arith.select %parallel_loop3A_644, %parallel_loop3A_646, %parallel_loop3A_625 : i32
        %parallel_loop3A_648 = arith.constant 8 : i32
        %parallel_loop3A_649 = arith.constant 0 : i32
        %parallel_loop3A_650 = arith.cmpi eq, %parallel_loop3A_648, %parallel_loop3A_649 : i32
        %parallel_loop3A_651 = arith.constant 1 : i32
        %parallel_loop3A_652 = arith.select %parallel_loop3A_650, %parallel_loop3A_651, %parallel_loop3A_648 : i32
        %parallel_loop3A_653 = arith.remsi %parallel_loop3A_227, %parallel_loop3A_652 : i32
        %parallel_loop3A_654 = arith.constant 0 : i32
        %parallel_loop3A_655 = arith.cmpi ne, %parallel_loop3A_653, %parallel_loop3A_654 : i32
        %parallel_loop3A_656 = arith.constant 0 : i32
        %parallel_loop3A_657 = arith.cmpi slt, %parallel_loop3A_653, %parallel_loop3A_656 : i32
        %parallel_loop3A_658 = arith.constant 0 : i32
        %parallel_loop3A_659 = arith.cmpi slt, %parallel_loop3A_652, %parallel_loop3A_658 : i32
        %parallel_loop3A_660 = arith.xori %parallel_loop3A_657, %parallel_loop3A_659 : i1
        %parallel_loop3A_661 = arith.andi %parallel_loop3A_660, %parallel_loop3A_655 : i1
        %parallel_loop3A_662 = arith.addi %parallel_loop3A_653, %parallel_loop3A_652 : i32
        %parallel_loop3A_663 = arith.select %parallel_loop3A_661, %parallel_loop3A_662, %parallel_loop3A_653 : i32
        %parallel_loop3A_664 = arith.index_cast %parallel_loop3A_647 : i32 to index
        %parallel_loop3A_665 = arith.index_cast %parallel_loop3A_211 : i32 to index
        %parallel_loop3A_666 = arith.index_cast %parallel_loop3A_663 : i32 to index
        %parallel_loop3A_667 = arith.constant 96 : index
        %parallel_loop3A_668 = tpu.vector_load %arg9[%parallel_loop3A_664, %parallel_loop3A_665, %parallel_loop3A_666, %parallel_loop3A_667] {strides = array<i32>} : memref<4x8x8x128xf32, #tpu.memory_space<vmem>>, vector<16xf32>,
        tpu.vector_store %arg9[%parallel_loop3A_664, %parallel_loop3A_665, %parallel_loop3A_666, %parallel_loop3A_667], %parallel_loop3A_623 {strides = array<i32>} : memref<4x8x8x128xf32, #tpu.memory_space<vmem>>, vector<16xf32>,
        %parallel_loop3A_669 = arith.constant 112 : i32
        %parallel_loop3A_670 = vector.broadcast %parallel_loop3A_669 : i32 to vector<16xi32>
        %parallel_loop3A_671 = arith.addi %iota3A, %parallel_loop3A_670 : vector<16xi32>
        %parallel_loop3A_672 = arith.constant 128 : i32
        %parallel_loop3A_673 = arith.muli %parallel_loop3A_211, %parallel_loop3A_672 : i32
        %parallel_loop3A_674 = arith.constant 112 : i32
        %parallel_loop3A_675 = arith.addi %parallel_loop3A_673, %parallel_loop3A_674 : i32
        %parallel_loop3A_676 = arith.constant 32 : i32
        %parallel_loop3A_677 = arith.muli %parallel_loop3A_675, %parallel_loop3A_676 : i32
        %parallel_loop3A_678 = vector.broadcast %parallel_loop3A_677 : i32 to vector<16xi32>
        %parallel_loop3A_679 = arith.addi %mul3A_5, %parallel_loop3A_678 : vector<16xi32>
        %parallel_loop3A_680 = vector.broadcast %parallel_loop3A_227 : i32 to vector<16xi32>
        %parallel_loop3A_681 = arith.addi %parallel_loop3A_671, %parallel_loop3A_680 : vector<16xi32>
        %parallel_loop3A_682 = arith.constant 31 : i32
        %parallel_loop3A_683 = vector.broadcast %parallel_loop3A_682 : i32 to vector<16xi32>
        %parallel_loop3A_684 = arith.andi %parallel_loop3A_681, %parallel_loop3A_683 : vector<16xi32>
        %parallel_loop3A_685 = arith.addi %parallel_loop3A_679, %parallel_loop3A_684 : vector<16xi32>
        %parallel_loop3A_686 = tpu.vector_load_idx %arg8[%parallel_loop3A_685] : memref<32768xf32, #tpu.memory_space<vmem>>[vector<16xi32>], vector<16xf32>,
        %parallel_loop3A_687 = arith.constant 8 : i32
        %parallel_loop3A_688 = arith.divsi %parallel_loop3A_227, %parallel_loop3A_687 : i32
        %parallel_loop3A_689 = arith.constant 0 : i32
        %parallel_loop3A_690 = arith.cmpi sgt, %parallel_loop3A_227, %parallel_loop3A_689 : i32
        %parallel_loop3A_691 = arith.extui %parallel_loop3A_690 : i1 to i32
        %parallel_loop3A_692 = arith.constant 0 : i32
        %parallel_loop3A_693 = arith.cmpi slt, %parallel_loop3A_227, %parallel_loop3A_692 : i32
        %parallel_loop3A_694 = arith.extui %parallel_loop3A_693 : i1 to i32
        %parallel_loop3A_695 = arith.subi %parallel_loop3A_691, %parallel_loop3A_694 : i32
        %parallel_loop3A_696 = arith.constant 0 : i32
        %parallel_loop3A_697 = arith.cmpi sgt, %parallel_loop3A_687, %parallel_loop3A_696 : i32
        %parallel_loop3A_698 = arith.extui %parallel_loop3A_697 : i1 to i32
        %parallel_loop3A_699 = arith.constant 0 : i32
        %parallel_loop3A_700 = arith.cmpi slt, %parallel_loop3A_687, %parallel_loop3A_699 : i32
        %parallel_loop3A_701 = arith.extui %parallel_loop3A_700 : i1 to i32
        %parallel_loop3A_702 = arith.subi %parallel_loop3A_698, %parallel_loop3A_701 : i32
        %parallel_loop3A_703 = arith.cmpi ne, %parallel_loop3A_695, %parallel_loop3A_702 : i32
        %parallel_loop3A_704 = arith.remsi %parallel_loop3A_227, %parallel_loop3A_687 : i32
        %parallel_loop3A_705 = arith.constant 0 : i32
        %parallel_loop3A_706 = arith.cmpi ne, %parallel_loop3A_704, %parallel_loop3A_705 : i32
        %parallel_loop3A_707 = arith.andi %parallel_loop3A_703, %parallel_loop3A_706 : i1
        %parallel_loop3A_708 = arith.constant 1 : i32
        %parallel_loop3A_709 = arith.subi %parallel_loop3A_688, %parallel_loop3A_708 : i32
        %parallel_loop3A_710 = arith.select %parallel_loop3A_707, %parallel_loop3A_709, %parallel_loop3A_688 : i32
        %parallel_loop3A_711 = arith.constant 8 : i32
        %parallel_loop3A_712 = arith.constant 0 : i32
        %parallel_loop3A_713 = arith.cmpi eq, %parallel_loop3A_711, %parallel_loop3A_712 : i32
        %parallel_loop3A_714 = arith.constant 1 : i32
        %parallel_loop3A_715 = arith.select %parallel_loop3A_713, %parallel_loop3A_714, %parallel_loop3A_711 : i32
        %parallel_loop3A_716 = arith.remsi %parallel_loop3A_227, %parallel_loop3A_715 : i32
        %parallel_loop3A_717 = arith.constant 0 : i32
        %parallel_loop3A_718 = arith.cmpi ne, %parallel_loop3A_716, %parallel_loop3A_717 : i32
        %parallel_loop3A_719 = arith.constant 0 : i32
        %parallel_loop3A_720 = arith.cmpi slt, %parallel_loop3A_716, %parallel_loop3A_719 : i32
        %parallel_loop3A_721 = arith.constant 0 : i32
        %parallel_loop3A_722 = arith.cmpi slt, %parallel_loop3A_715, %parallel_loop3A_721 : i32
        %parallel_loop3A_723 = arith.xori %parallel_loop3A_720, %parallel_loop3A_722 : i1
        %parallel_loop3A_724 = arith.andi %parallel_loop3A_723, %parallel_loop3A_718 : i1
        %parallel_loop3A_725 = arith.addi %parallel_loop3A_716, %parallel_loop3A_715 : i32
        %parallel_loop3A_726 = arith.select %parallel_loop3A_724, %parallel_loop3A_725, %parallel_loop3A_716 : i32
        %parallel_loop3A_727 = arith.index_cast %parallel_loop3A_710 : i32 to index
        %parallel_loop3A_728 = arith.index_cast %parallel_loop3A_211 : i32 to index
        %parallel_loop3A_729 = arith.index_cast %parallel_loop3A_726 : i32 to index
        %parallel_loop3A_730 = arith.constant 112 : index
        %parallel_loop3A_731 = tpu.vector_load %arg9[%parallel_loop3A_727, %parallel_loop3A_728, %parallel_loop3A_729, %parallel_loop3A_730] {strides = array<i32>} : memref<4x8x8x128xf32, #tpu.memory_space<vmem>>, vector<16xf32>,
        tpu.vector_store %arg9[%parallel_loop3A_727, %parallel_loop3A_728, %parallel_loop3A_729, %parallel_loop3A_730], %parallel_loop3A_686 {strides = array<i32>} : memref<4x8x8x128xf32, #tpu.memory_space<vmem>>, vector<16xf32>,
      } {sc.loop_unroll_factor = 8 : i64, sc.parallel_access}
      %run_scoped3A = arith.constant 0 : i32
      %run_scoped3A_180 = arith.constant 0 : i32
      "tpu.region"() ({
        %run_scoped3A_187 = tpu.sem_alloc : memref<!tpu.dma_semaphore, #tpu.memory_space<semaphore_mem>>
        %dma_start3A_188 = arith.constant 0 : i32
        %dma_start3A_189 = arith.constant 0 : i32
        %dma_start3A_190 = arith.constant 0 : i32
        %dma_start3A_191 = tpu.memref_slice %arg9[%run_scoped3A, %dma_start3A_188, %dma_start3A_189, %dma_start3A_190] : memref<4x8x8x128xf32, #tpu.memory_space<vmem>> -> memref<1x8x8x128xf32, #tpu.memory_space<vmem>>
        %dma_start3A_192 = tpu.memref_squeeze %dma_start3A_191 : memref<1x8x8x128xf32, #tpu.memory_space<vmem>> -> memref<8x8x128xf32, #tpu.memory_space<vmem>>
        %dma_start3A_193 = arith.constant 0 : i32
        %dma_start3A_194 = arith.constant 0 : i32
        %dma_start3A_195 = tpu.memref_slice %arg5[%mul3A_13, %run_scoped3A_180, %add3A, %dma_start3A_193, %dma_start3A_194] : memref<200x4x32x8x128xf32, #tpu.memory_space<hbm>> -> memref<8x1x1x8x128xf32, #tpu.memory_space<hbm>>
        %dma_start3A_196 = tpu.memref_squeeze %dma_start3A_195 : memref<8x1x1x8x128xf32, #tpu.memory_space<hbm>> -> memref<8x8x128xf32, #tpu.memory_space<hbm>>
        %dma_start3A_197 = arith.constant 0 : i32
        %dma_start3A_198 = arith.constant 0 : i32
        %dma_start3A_199 = tpu.memref_slice %arg5[%mul3A_13, %run_scoped3A_180, %add3A, %dma_start3A_197, %dma_start3A_198] : memref<200x4x32x8x128xf32, #tpu.memory_space<hbm>> -> memref<8x1x1x8x128xf32, #tpu.memory_space<hbm>>
        %dma_start3A_200 = tpu.memref_squeeze %dma_start3A_199 : memref<8x1x1x8x128xf32, #tpu.memory_space<hbm>> -> memref<8x8x128xf32, #tpu.memory_space<hbm>>
        %dma_start3A_201 = arith.constant 0 : i32
        %dma_start3A_202 = arith.constant 0 : i32
        %dma_start3A_203 = arith.constant 0 : i32
        %dma_start3A_204 = tpu.memref_slice %arg9[%run_scoped3A, %dma_start3A_201, %dma_start3A_202, %dma_start3A_203] : memref<4x8x8x128xf32, #tpu.memory_space<vmem>> -> memref<1x8x8x128xf32, #tpu.memory_space<vmem>>
        %dma_start3A_205 = tpu.memref_squeeze %dma_start3A_204 : memref<1x8x8x128xf32, #tpu.memory_space<vmem>> -> memref<8x8x128xf32, #tpu.memory_space<vmem>>
        tpu.enqueue_dma source(%dma_start3A_205 : memref<8x8x128xf32, #tpu.memory_space<vmem>>) target(%dma_start3A_200 : memref<8x8x128xf32, #tpu.memory_space<hbm>>) target_semaphore(%run_scoped3A_187 : memref<!tpu.dma_semaphore, #tpu.memory_space<semaphore_mem>>)
        %dma_wait3A_206 = arith.constant 0 : i32
        %dma_wait3A_207 = arith.constant 0 : i32
        %dma_wait3A_208 = arith.constant 0 : i32
        %dma_wait3A_209 = tpu.memref_slice %arg9[%run_scoped3A, %dma_wait3A_206, %dma_wait3A_207, %dma_wait3A_208] : memref<4x8x8x128xf32, #tpu.memory_space<vmem>> -> memref<1x8x8x128xf32, #tpu.memory_space<vmem>>
        %dma_wait3A_210 = tpu.memref_squeeze %dma_wait3A_209 : memref<1x8x8x128xf32, #tpu.memory_space<vmem>> -> memref<8x8x128xf32, #tpu.memory_space<vmem>>
        %dma_wait3A_211 = arith.constant 0 : i32
        %dma_wait3A_212 = arith.constant 0 : i32
        %dma_wait3A_213 = tpu.memref_slice %arg5[%mul3A_13, %run_scoped3A_180, %add3A, %dma_wait3A_211, %dma_wait3A_212] : memref<200x4x32x8x128xf32, #tpu.memory_space<hbm>> -> memref<8x1x1x8x128xf32, #tpu.memory_space<hbm>>
        %dma_wait3A_214 = tpu.memref_squeeze %dma_wait3A_213 : memref<8x1x1x8x128xf32, #tpu.memory_space<hbm>> -> memref<8x8x128xf32, #tpu.memory_space<hbm>>
        %dma_wait3A_215 = arith.constant 0 : i32
        %dma_wait3A_216 = arith.constant 0 : i32
        %dma_wait3A_217 = tpu.memref_slice %arg5[%mul3A_13, %run_scoped3A_180, %add3A, %dma_wait3A_215, %dma_wait3A_216] : memref<200x4x32x8x128xf32, #tpu.memory_space<hbm>> -> memref<8x1x1x8x128xf32, #tpu.memory_space<hbm>>
        %dma_wait3A_218 = tpu.memref_squeeze %dma_wait3A_217 : memref<8x1x1x8x128xf32, #tpu.memory_space<hbm>> -> memref<8x8x128xf32, #tpu.memory_space<hbm>>
        %dma_wait3A_219 = arith.constant 0 : i32
        %dma_wait3A_220 = arith.constant 0 : i32
        %dma_wait3A_221 = arith.constant 0 : i32
        %dma_wait3A_222 = tpu.memref_slice %arg9[%run_scoped3A, %dma_wait3A_219, %dma_wait3A_220, %dma_wait3A_221] : memref<4x8x8x128xf32, #tpu.memory_space<vmem>> -> memref<1x8x8x128xf32, #tpu.memory_space<vmem>>
        %dma_wait3A_223 = tpu.memref_squeeze %dma_wait3A_222 : memref<1x8x8x128xf32, #tpu.memory_space<vmem>> -> memref<8x8x128xf32, #tpu.memory_space<vmem>>
        tpu.wait_dma2 semaphore(%run_scoped3A_187 : memref<!tpu.dma_semaphore, #tpu.memory_space<semaphore_mem>>) src(%dma_wait3A_223 : memref<8x8x128xf32, #tpu.memory_space<vmem>>) dst(%dma_wait3A_218 : memref<8x8x128xf32, #tpu.memory_space<hbm>>)
        tpu.yield
      }) : () -> ()
      %run_scoped3A_181 = arith.constant 1 : i32
      %run_scoped3A_182 = arith.constant 1 : i32
      "tpu.region"() ({
        %run_scoped3A_187 = tpu.sem_alloc : memref<!tpu.dma_semaphore, #tpu.memory_space<semaphore_mem>>
        %dma_start3A_188 = arith.constant 0 : i32
        %dma_start3A_189 = arith.constant 0 : i32
        %dma_start3A_190 = arith.constant 0 : i32
        %dma_start3A_191 = tpu.memref_slice %arg9[%run_scoped3A_181, %dma_start3A_188, %dma_start3A_189, %dma_start3A_190] : memref<4x8x8x128xf32, #tpu.memory_space<vmem>> -> memref<1x8x8x128xf32, #tpu.memory_space<vmem>>
        %dma_start3A_192 = tpu.memref_squeeze %dma_start3A_191 : memref<1x8x8x128xf32, #tpu.memory_space<vmem>> -> memref<8x8x128xf32, #tpu.memory_space<vmem>>
        %dma_start3A_193 = arith.constant 0 : i32
        %dma_start3A_194 = arith.constant 0 : i32
        %dma_start3A_195 = tpu.memref_slice %arg5[%mul3A_13, %run_scoped3A_182, %add3A, %dma_start3A_193, %dma_start3A_194] : memref<200x4x32x8x128xf32, #tpu.memory_space<hbm>> -> memref<8x1x1x8x128xf32, #tpu.memory_space<hbm>>
        %dma_start3A_196 = tpu.memref_squeeze %dma_start3A_195 : memref<8x1x1x8x128xf32, #tpu.memory_space<hbm>> -> memref<8x8x128xf32, #tpu.memory_space<hbm>>
        %dma_start3A_197 = arith.constant 0 : i32
        %dma_start3A_198 = arith.constant 0 : i32
        %dma_start3A_199 = tpu.memref_slice %arg5[%mul3A_13, %run_scoped3A_182, %add3A, %dma_start3A_197, %dma_start3A_198] : memref<200x4x32x8x128xf32, #tpu.memory_space<hbm>> -> memref<8x1x1x8x128xf32, #tpu.memory_space<hbm>>
        %dma_start3A_200 = tpu.memref_squeeze %dma_start3A_199 : memref<8x1x1x8x128xf32, #tpu.memory_space<hbm>> -> memref<8x8x128xf32, #tpu.memory_space<hbm>>
        %dma_start3A_201 = arith.constant 0 : i32
        %dma_start3A_202 = arith.constant 0 : i32
        %dma_start3A_203 = arith.constant 0 : i32
        %dma_start3A_204 = tpu.memref_slice %arg9[%run_scoped3A_181, %dma_start3A_201, %dma_start3A_202, %dma_start3A_203] : memref<4x8x8x128xf32, #tpu.memory_space<vmem>> -> memref<1x8x8x128xf32, #tpu.memory_space<vmem>>
        %dma_start3A_205 = tpu.memref_squeeze %dma_start3A_204 : memref<1x8x8x128xf32, #tpu.memory_space<vmem>> -> memref<8x8x128xf32, #tpu.memory_space<vmem>>
        tpu.enqueue_dma source(%dma_start3A_205 : memref<8x8x128xf32, #tpu.memory_space<vmem>>) target(%dma_start3A_200 : memref<8x8x128xf32, #tpu.memory_space<hbm>>) target_semaphore(%run_scoped3A_187 : memref<!tpu.dma_semaphore, #tpu.memory_space<semaphore_mem>>)
        %dma_wait3A_206 = arith.constant 0 : i32
        %dma_wait3A_207 = arith.constant 0 : i32
        %dma_wait3A_208 = arith.constant 0 : i32
        %dma_wait3A_209 = tpu.memref_slice %arg9[%run_scoped3A_181, %dma_wait3A_206, %dma_wait3A_207, %dma_wait3A_208] : memref<4x8x8x128xf32, #tpu.memory_space<vmem>> -> memref<1x8x8x128xf32, #tpu.memory_space<vmem>>
        %dma_wait3A_210 = tpu.memref_squeeze %dma_wait3A_209 : memref<1x8x8x128xf32, #tpu.memory_space<vmem>> -> memref<8x8x128xf32, #tpu.memory_space<vmem>>
        %dma_wait3A_211 = arith.constant 0 : i32
        %dma_wait3A_212 = arith.constant 0 : i32
        %dma_wait3A_213 = tpu.memref_slice %arg5[%mul3A_13, %run_scoped3A_182, %add3A, %dma_wait3A_211, %dma_wait3A_212] : memref<200x4x32x8x128xf32, #tpu.memory_space<hbm>> -> memref<8x1x1x8x128xf32, #tpu.memory_space<hbm>>
        %dma_wait3A_214 = tpu.memref_squeeze %dma_wait3A_213 : memref<8x1x1x8x128xf32, #tpu.memory_space<hbm>> -> memref<8x8x128xf32, #tpu.memory_space<hbm>>
        %dma_wait3A_215 = arith.constant 0 : i32
        %dma_wait3A_216 = arith.constant 0 : i32
        %dma_wait3A_217 = tpu.memref_slice %arg5[%mul3A_13, %run_scoped3A_182, %add3A, %dma_wait3A_215, %dma_wait3A_216] : memref<200x4x32x8x128xf32, #tpu.memory_space<hbm>> -> memref<8x1x1x8x128xf32, #tpu.memory_space<hbm>>
        %dma_wait3A_218 = tpu.memref_squeeze %dma_wait3A_217 : memref<8x1x1x8x128xf32, #tpu.memory_space<hbm>> -> memref<8x8x128xf32, #tpu.memory_space<hbm>>
        %dma_wait3A_219 = arith.constant 0 : i32
        %dma_wait3A_220 = arith.constant 0 : i32
        %dma_wait3A_221 = arith.constant 0 : i32
        %dma_wait3A_222 = tpu.memref_slice %arg9[%run_scoped3A_181, %dma_wait3A_219, %dma_wait3A_220, %dma_wait3A_221] : memref<4x8x8x128xf32, #tpu.memory_space<vmem>> -> memref<1x8x8x128xf32, #tpu.memory_space<vmem>>
        %dma_wait3A_223 = tpu.memref_squeeze %dma_wait3A_222 : memref<1x8x8x128xf32, #tpu.memory_space<vmem>> -> memref<8x8x128xf32, #tpu.memory_space<vmem>>
        tpu.wait_dma2 semaphore(%run_scoped3A_187 : memref<!tpu.dma_semaphore, #tpu.memory_space<semaphore_mem>>) src(%dma_wait3A_223 : memref<8x8x128xf32, #tpu.memory_space<vmem>>) dst(%dma_wait3A_218 : memref<8x8x128xf32, #tpu.memory_space<hbm>>)
        tpu.yield
      }) : () -> ()
      %run_scoped3A_183 = arith.constant 2 : i32
      %run_scoped3A_184 = arith.constant 2 : i32
      "tpu.region"() ({
        %run_scoped3A_187 = tpu.sem_alloc : memref<!tpu.dma_semaphore, #tpu.memory_space<semaphore_mem>>
        %dma_start3A_188 = arith.constant 0 : i32
        %dma_start3A_189 = arith.constant 0 : i32
        %dma_start3A_190 = arith.constant 0 : i32
        %dma_start3A_191 = tpu.memref_slice %arg9[%run_scoped3A_183, %dma_start3A_188, %dma_start3A_189, %dma_start3A_190] : memref<4x8x8x128xf32, #tpu.memory_space<vmem>> -> memref<1x8x8x128xf32, #tpu.memory_space<vmem>>
        %dma_start3A_192 = tpu.memref_squeeze %dma_start3A_191 : memref<1x8x8x128xf32, #tpu.memory_space<vmem>> -> memref<8x8x128xf32, #tpu.memory_space<vmem>>
        %dma_start3A_193 = arith.constant 0 : i32
        %dma_start3A_194 = arith.constant 0 : i32
        %dma_start3A_195 = tpu.memref_slice %arg5[%mul3A_13, %run_scoped3A_184, %add3A, %dma_start3A_193, %dma_start3A_194] : memref<200x4x32x8x128xf32, #tpu.memory_space<hbm>> -> memref<8x1x1x8x128xf32, #tpu.memory_space<hbm>>
        %dma_start3A_196 = tpu.memref_squeeze %dma_start3A_195 : memref<8x1x1x8x128xf32, #tpu.memory_space<hbm>> -> memref<8x8x128xf32, #tpu.memory_space<hbm>>
        %dma_start3A_197 = arith.constant 0 : i32
        %dma_start3A_198 = arith.constant 0 : i32
        %dma_start3A_199 = tpu.memref_slice %arg5[%mul3A_13, %run_scoped3A_184, %add3A, %dma_start3A_197, %dma_start3A_198] : memref<200x4x32x8x128xf32, #tpu.memory_space<hbm>> -> memref<8x1x1x8x128xf32, #tpu.memory_space<hbm>>
        %dma_start3A_200 = tpu.memref_squeeze %dma_start3A_199 : memref<8x1x1x8x128xf32, #tpu.memory_space<hbm>> -> memref<8x8x128xf32, #tpu.memory_space<hbm>>
        %dma_start3A_201 = arith.constant 0 : i32
        %dma_start3A_202 = arith.constant 0 : i32
        %dma_start3A_203 = arith.constant 0 : i32
        %dma_start3A_204 = tpu.memref_slice %arg9[%run_scoped3A_183, %dma_start3A_201, %dma_start3A_202, %dma_start3A_203] : memref<4x8x8x128xf32, #tpu.memory_space<vmem>> -> memref<1x8x8x128xf32, #tpu.memory_space<vmem>>
        %dma_start3A_205 = tpu.memref_squeeze %dma_start3A_204 : memref<1x8x8x128xf32, #tpu.memory_space<vmem>> -> memref<8x8x128xf32, #tpu.memory_space<vmem>>
        tpu.enqueue_dma source(%dma_start3A_205 : memref<8x8x128xf32, #tpu.memory_space<vmem>>) target(%dma_start3A_200 : memref<8x8x128xf32, #tpu.memory_space<hbm>>) target_semaphore(%run_scoped3A_187 : memref<!tpu.dma_semaphore, #tpu.memory_space<semaphore_mem>>)
        %dma_wait3A_206 = arith.constant 0 : i32
        %dma_wait3A_207 = arith.constant 0 : i32
        %dma_wait3A_208 = arith.constant 0 : i32
        %dma_wait3A_209 = tpu.memref_slice %arg9[%run_scoped3A_183, %dma_wait3A_206, %dma_wait3A_207, %dma_wait3A_208] : memref<4x8x8x128xf32, #tpu.memory_space<vmem>> -> memref<1x8x8x128xf32, #tpu.memory_space<vmem>>
        %dma_wait3A_210 = tpu.memref_squeeze %dma_wait3A_209 : memref<1x8x8x128xf32, #tpu.memory_space<vmem>> -> memref<8x8x128xf32, #tpu.memory_space<vmem>>
        %dma_wait3A_211 = arith.constant 0 : i32
        %dma_wait3A_212 = arith.constant 0 : i32
        %dma_wait3A_213 = tpu.memref_slice %arg5[%mul3A_13, %run_scoped3A_184, %add3A, %dma_wait3A_211, %dma_wait3A_212] : memref<200x4x32x8x128xf32, #tpu.memory_space<hbm>> -> memref<8x1x1x8x128xf32, #tpu.memory_space<hbm>>
        %dma_wait3A_214 = tpu.memref_squeeze %dma_wait3A_213 : memref<8x1x1x8x128xf32, #tpu.memory_space<hbm>> -> memref<8x8x128xf32, #tpu.memory_space<hbm>>
        %dma_wait3A_215 = arith.constant 0 : i32
        %dma_wait3A_216 = arith.constant 0 : i32
        %dma_wait3A_217 = tpu.memref_slice %arg5[%mul3A_13, %run_scoped3A_184, %add3A, %dma_wait3A_215, %dma_wait3A_216] : memref<200x4x32x8x128xf32, #tpu.memory_space<hbm>> -> memref<8x1x1x8x128xf32, #tpu.memory_space<hbm>>
        %dma_wait3A_218 = tpu.memref_squeeze %dma_wait3A_217 : memref<8x1x1x8x128xf32, #tpu.memory_space<hbm>> -> memref<8x8x128xf32, #tpu.memory_space<hbm>>
        %dma_wait3A_219 = arith.constant 0 : i32
        %dma_wait3A_220 = arith.constant 0 : i32
        %dma_wait3A_221 = arith.constant 0 : i32
        %dma_wait3A_222 = tpu.memref_slice %arg9[%run_scoped3A_183, %dma_wait3A_219, %dma_wait3A_220, %dma_wait3A_221] : memref<4x8x8x128xf32, #tpu.memory_space<vmem>> -> memref<1x8x8x128xf32, #tpu.memory_space<vmem>>
        %dma_wait3A_223 = tpu.memref_squeeze %dma_wait3A_222 : memref<1x8x8x128xf32, #tpu.memory_space<vmem>> -> memref<8x8x128xf32, #tpu.memory_space<vmem>>
        tpu.wait_dma2 semaphore(%run_scoped3A_187 : memref<!tpu.dma_semaphore, #tpu.memory_space<semaphore_mem>>) src(%dma_wait3A_223 : memref<8x8x128xf32, #tpu.memory_space<vmem>>) dst(%dma_wait3A_218 : memref<8x8x128xf32, #tpu.memory_space<hbm>>)
        tpu.yield
      }) : () -> ()
      %run_scoped3A_185 = arith.constant 3 : i32
      %run_scoped3A_186 = arith.constant 3 : i32
      "tpu.region"() ({
        %run_scoped3A_187 = tpu.sem_alloc : memref<!tpu.dma_semaphore, #tpu.memory_space<semaphore_mem>>
        %dma_start3A_188 = arith.constant 0 : i32
        %dma_start3A_189 = arith.constant 0 : i32
        %dma_start3A_190 = arith.constant 0 : i32
        %dma_start3A_191 = tpu.memref_slice %arg9[%run_scoped3A_185, %dma_start3A_188, %dma_start3A_189, %dma_start3A_190] : memref<4x8x8x128xf32, #tpu.memory_space<vmem>> -> memref<1x8x8x128xf32, #tpu.memory_space<vmem>>
        %dma_start3A_192 = tpu.memref_squeeze %dma_start3A_191 : memref<1x8x8x128xf32, #tpu.memory_space<vmem>> -> memref<8x8x128xf32, #tpu.memory_space<vmem>>
        %dma_start3A_193 = arith.constant 0 : i32
        %dma_start3A_194 = arith.constant 0 : i32
        %dma_start3A_195 = tpu.memref_slice %arg5[%mul3A_13, %run_scoped3A_186, %add3A, %dma_start3A_193, %dma_start3A_194] : memref<200x4x32x8x128xf32, #tpu.memory_space<hbm>> -> memref<8x1x1x8x128xf32, #tpu.memory_space<hbm>>
        %dma_start3A_196 = tpu.memref_squeeze %dma_start3A_195 : memref<8x1x1x8x128xf32, #tpu.memory_space<hbm>> -> memref<8x8x128xf32, #tpu.memory_space<hbm>>
        %dma_start3A_197 = arith.constant 0 : i32
        %dma_start3A_198 = arith.constant 0 : i32
        %dma_start3A_199 = tpu.memref_slice %arg5[%mul3A_13, %run_scoped3A_186, %add3A, %dma_start3A_197, %dma_start3A_198] : memref<200x4x32x8x128xf32, #tpu.memory_space<hbm>> -> memref<8x1x1x8x128xf32, #tpu.memory_space<hbm>>
        %dma_start3A_200 = tpu.memref_squeeze %dma_start3A_199 : memref<8x1x1x8x128xf32, #tpu.memory_space<hbm>> -> memref<8x8x128xf32, #tpu.memory_space<hbm>>
        %dma_start3A_201 = arith.constant 0 : i32
        %dma_start3A_202 = arith.constant 0 : i32
        %dma_start3A_203 = arith.constant 0 : i32
        %dma_start3A_204 = tpu.memref_slice %arg9[%run_scoped3A_185, %dma_start3A_201, %dma_start3A_202, %dma_start3A_203] : memref<4x8x8x128xf32, #tpu.memory_space<vmem>> -> memref<1x8x8x128xf32, #tpu.memory_space<vmem>>
        %dma_start3A_205 = tpu.memref_squeeze %dma_start3A_204 : memref<1x8x8x128xf32, #tpu.memory_space<vmem>> -> memref<8x8x128xf32, #tpu.memory_space<vmem>>
        tpu.enqueue_dma source(%dma_start3A_205 : memref<8x8x128xf32, #tpu.memory_space<vmem>>) target(%dma_start3A_200 : memref<8x8x128xf32, #tpu.memory_space<hbm>>) target_semaphore(%run_scoped3A_187 : memref<!tpu.dma_semaphore, #tpu.memory_space<semaphore_mem>>)
        %dma_wait3A_206 = arith.constant 0 : i32
        %dma_wait3A_207 = arith.constant 0 : i32
        %dma_wait3A_208 = arith.constant 0 : i32
        %dma_wait3A_209 = tpu.memref_slice %arg9[%run_scoped3A_185, %dma_wait3A_206, %dma_wait3A_207, %dma_wait3A_208] : memref<4x8x8x128xf32, #tpu.memory_space<vmem>> -> memref<1x8x8x128xf32, #tpu.memory_space<vmem>>
        %dma_wait3A_210 = tpu.memref_squeeze %dma_wait3A_209 : memref<1x8x8x128xf32, #tpu.memory_space<vmem>> -> memref<8x8x128xf32, #tpu.memory_space<vmem>>
        %dma_wait3A_211 = arith.constant 0 : i32
        %dma_wait3A_212 = arith.constant 0 : i32
        %dma_wait3A_213 = tpu.memref_slice %arg5[%mul3A_13, %run_scoped3A_186, %add3A, %dma_wait3A_211, %dma_wait3A_212] : memref<200x4x32x8x128xf32, #tpu.memory_space<hbm>> -> memref<8x1x1x8x128xf32, #tpu.memory_space<hbm>>
        %dma_wait3A_214 = tpu.memref_squeeze %dma_wait3A_213 : memref<8x1x1x8x128xf32, #tpu.memory_space<hbm>> -> memref<8x8x128xf32, #tpu.memory_space<hbm>>
        %dma_wait3A_215 = arith.constant 0 : i32
        %dma_wait3A_216 = arith.constant 0 : i32
        %dma_wait3A_217 = tpu.memref_slice %arg5[%mul3A_13, %run_scoped3A_186, %add3A, %dma_wait3A_215, %dma_wait3A_216] : memref<200x4x32x8x128xf32, #tpu.memory_space<hbm>> -> memref<8x1x1x8x128xf32, #tpu.memory_space<hbm>>
        %dma_wait3A_218 = tpu.memref_squeeze %dma_wait3A_217 : memref<8x1x1x8x128xf32, #tpu.memory_space<hbm>> -> memref<8x8x128xf32, #tpu.memory_space<hbm>>
        %dma_wait3A_219 = arith.constant 0 : i32
        %dma_wait3A_220 = arith.constant 0 : i32
        %dma_wait3A_221 = arith.constant 0 : i32
        %dma_wait3A_222 = tpu.memref_slice %arg9[%run_scoped3A_185, %dma_wait3A_219, %dma_wait3A_220, %dma_wait3A_221] : memref<4x8x8x128xf32, #tpu.memory_space<vmem>> -> memref<1x8x8x128xf32, #tpu.memory_space<vmem>>
        %dma_wait3A_223 = tpu.memref_squeeze %dma_wait3A_222 : memref<1x8x8x128xf32, #tpu.memory_space<vmem>> -> memref<8x8x128xf32, #tpu.memory_space<vmem>>
        tpu.wait_dma2 semaphore(%run_scoped3A_187 : memref<!tpu.dma_semaphore, #tpu.memory_space<semaphore_mem>>) src(%dma_wait3A_223 : memref<8x8x128xf32, #tpu.memory_space<vmem>>) dst(%dma_wait3A_218 : memref<8x8x128xf32, #tpu.memory_space<hbm>>)
        tpu.yield
      }) : () -> ()
    }
    %scan3A_10 = arith.constant 25 : i32
    return
  }
}

module attributes {stable_mosaic.version = 14 : i64} {
  func.func @_tc_retile_body(%arg0: i32, %arg1: memref<32x16384xf32, #tpu.memory_space<vmem>>, %arg2: memref<4096x128xf32, #tpu.memory_space<vmem>>) attributes {dimension_semantics = [#tpu.dimension_semantics<arbitrary>], iteration_bounds = array<i64: 62>, scalar_prefetch = 0 : i64, scratch_operands = 0 : i64, tpu.core_type = #tpu.core_type<tc>, window_params = [{transform_indices = @transform_0, window_bounds = array<i64: 32, 16384>}, {transform_indices = @transform_1, window_bounds = array<i64: 4096, 128>}]} {
    %get3A = arith.constant 0 : index
    %get3A_0 = arith.constant 0 : index
    %get3A_1 = vector.load %arg1[%get3A, %get3A_0] : memref<32x16384xf32, #tpu.memory_space<vmem>>, vector<32x16384xf32>
    %transpose3A = tpu.transpose %get3A_1, [1, 0] : vector<32x16384xf32> -> vector<16384x32xf32>
    %slice3A = vector.extract_strided_slice %transpose3A {offsets = [0, 0], sizes = [4096, 32], strides = [1, 1]} : vector<16384x32xf32> to vector<4096x32xf32>
    %slice3A_2 = vector.extract_strided_slice %transpose3A {offsets = [4096, 0], sizes = [4096, 32], strides = [1, 1]} : vector<16384x32xf32> to vector<4096x32xf32>
    %slice3A_3 = vector.extract_strided_slice %transpose3A {offsets = [8192, 0], sizes = [4096, 32], strides = [1, 1]} : vector<16384x32xf32> to vector<4096x32xf32>
    %slice3A_4 = vector.extract_strided_slice %transpose3A {offsets = [12288, 0], sizes = [4096, 32], strides = [1, 1]} : vector<16384x32xf32> to vector<4096x32xf32>
    %concatenate3A = tpu.concatenate %slice3A, %slice3A_2, %slice3A_3, %slice3A_4 in 1 : vector<4096x32xf32>, vector<4096x32xf32>, vector<4096x32xf32>, vector<4096x32xf32> -> vector<4096x128xf32>
    %swap3A = arith.constant 0 : index
    %swap3A_5 = arith.constant 0 : index
    %swap3A_6 = vector.load %arg2[%swap3A, %swap3A_5] : memref<4096x128xf32, #tpu.memory_space<vmem>>, vector<4096x128xf32>
    tpu.vector_store %arg2[%swap3A, %swap3A_5], %concatenate3A {strides = array<i32>} : memref<4096x128xf32, #tpu.memory_space<vmem>>, vector<4096x128xf32>,
    return
  }
  func.func @transform_0(%arg0: i32) -> (i32, i32) {
    %c0_i32 = arith.constant 0 : i32
    %c0_i32_0 = arith.constant 0 : i32
    return %c0_i32, %arg0 : i32, i32
  }
  func.func @transform_1(%arg0: i32) -> (i32, i32) {
    %c0_i32 = arith.constant 0 : i32
    %c0_i32_0 = arith.constant 0 : i32
    return %arg0, %c0_i32 : i32, i32
  }
}

</mosaic_0001>

<sc_bundles>
// kernel: kernel.4.cloned.1.call-start
scs
__scs_entry_jumppad:
0x0: {  	(pc) =	sbr.rel $0x88, $3  }
0x1: {  	(tag) =	ssettag $0x0;
	lr =	simm.s32 $0x1  }
0x2: {  	[smem:$0x3F9E] =	sst lr;
	_ =	strace $0xD0000000  }
0x3: {  	_ = 	snop  }
0x4: {  	_ = 	snop  }
0x5: {  	_ = 	snop  }
0x6: {  	_ = 	snop  }
0x7: {  	_ = 	snop  }
__scs_overlays_trampoline_lowered:
0x8: {  	[smem:$0x3FAD] =	sst s0  }
0x9: {  	[smem:$0x3FAE] =	sst s1  }
0xa: {  	[smem:$0x3FAF] =	sst s2  }
0xb: {  	[smem:$0x3FB0] =	sst s3  }
0xc: {  	[smem:$0x3FB1] =	sst s4  }
0xd: {  	[smem:$0x3FB2] =	sst s5  }
0xe: {  	[smem:$0x3FB3] =	sst s6  }
0xf: {  	[smem:$0x3FB4] =	sst s7  }
0x10: {  	[smem:$0x3FB5] =	sst s8  }
0x11: {  	[smem:$0x3FB6] =	sst s9;
	s0 =	simm.s32 @!p0 $0x0  }
0x12: {  	s1 =	sld [smem:$0x3F9C];
	s0 =	simm.s32 @p0 $0x1  }
0x13: {  	[smem:$0x3FB7] =	sst s0;
	s0 =	simm.s32 @!p1 $0x0  }
0x14: {  	s2 =	sld [smem:$0x3F9B];
	s0 =	simm.s32 @p1 $0x1  }
0x15: {  	[smem:$0x3FB8] =	sst s0;
	s0 =	simm.s32 @!p2 $0x0  }
0x16: {  	s3 =	sld [smem:$0x3FDB];
	s0 =	simm.s32 @p2 $0x1  }
0x17: {  	s4 =	simm.s32 $0x1BF5;
	[smem:$0x3FBA] =	sst s0  }
0x18: {  	s0 =	sld [smem:$0x3F9D];
	_ =	swait.ge [sflag:s4], $0x0  }
0x19: {  	s7 =	sld [smem:$0x3F9E]  }
0x1a: {  	s8 =	sadd.s32 $0xFFFFE003, lr  }
0x1b: {  	s9 =	sadd.s32 $0xFFFFFEF7, lr;
	s5 =	simm.s32 $0xFFFFFFFF;
	p2 =	slt.u32 s8, $0xFFFFF086  }
0x1c: {  	p1 =	slt.u32 s9, $0xF7A;
	s5 =	simm.s32 @!p2 $0x0  }
0x1d: {  	s5 =	simm.s32 @p1 $0x1;
	p0 =	seq.s32 s7, s2  }
0x1e: {  	s7 =	smul.u32 @!p0 $0xF7A, s2;
	p2 =	seq.s32 @!p0 s5, $0x0  }
0x1f: {  	s9 =	smul.u32 $0xF7A, s1;
	s8 =	simm.s32 @!p0 $0x1BF5;
	p2 =	por !p2, p0  }
0x20: {  	[sflag:s8] =	ssyncset.s32 @!p0 $0xFFFFF086;
	s6 =	sadd.s32 @!p0 s3, s7;
	s7 =	simm.s32 @!p0 $0x108  }
0x21: {  	s3 =	sadd.s32 s3, s9;
	s6 =	sadd.s32 @!p0 $0x88, s6;
	s7 =	simm.s32 @p2 $0x1082  }
0x22: {  	[simem:s7], [sflag:s8] =	dma.local @!p0 [hbm:s6], $0xF7A  }
0x23: {  	s9 =	sor.u32 $0xD0000000, s2;
	s6 =	simm.s32 $0x108;
	_ =	swait.ge @!p0 [sflag:s8], $0x0  }
0x24: {  	s3 =	sadd.s32 $0x88, s3;
	s6 =	simm.s32 @!p1 $0x1082;
	[sflag:s4] =	ssyncset.s32 $0xFFFFF086  }
0x25: {  	[simem:s6], [sflag:s4] =	dma.local [hbm:s3], $0xF7A  }
0x26: {  	[smem:$0x3F9E] =	sst s1;
	(tag) =	ssettag s2;
	_ =	strace s9  }
0x27: {  	s1 =	sld [smem:$0x3FAE]  }
0x28: {  	s2 =	sld [smem:$0x3FAF]  }
0x29: {  	s4 =	sld [smem:$0x3FB1]  }
0x2a: {  	p0 =	seq.s32 s5, $0x0;
	s5 =	sld [smem:$0x3FB2]  }
0x2b: {  	s6 =	sld [smem:$0x3FB3]  }
0x2c: {  	s7 =	sld [smem:$0x3FB4]  }
0x2d: {  	s3 =	simm.s32 $0x108;
	s8 =	sld [smem:$0x3FB5]  }
0x2e: {  	s3 =	simm.s32 @!p0 $0x1082;
	s9 =	sld [smem:$0x3FB6]  }
0x2f: {  	lr =	sadd.s32 s0, s3;
	s0 =	sld [smem:$0x3FAD]  }
0x30: {  	s3 =	sld [smem:$0x3FB0]  }
0x31: {  	[smem:$0x3FB9] =	sst s10  }
0x32: {  	s10 =	sld [smem:$0x3FB7];
	_ =	sdelay $0x3  }
0x33: {  	p0 =	seq.s32 s10, $0x1;
	s10 =	sld [smem:$0x3FB9];
	_ =	sdelay $0x3  }
0x34: {  	[smem:$0x3FB9] =	sst s10  }
0x35: {  	s10 =	sld [smem:$0x3FB8];
	_ =	sdelay $0x3  }
0x36: {  	p1 =	seq.s32 s10, $0x1;
	s10 =	sld [smem:$0x3FB9];
	_ =	sdelay $0x3  }
0x37: {  	[smem:$0x3FB9] =	sst s10  }
0x38: {  	s10 =	sld [smem:$0x3FBA]  }
0x39: {  	_ = 	snop;
	(pc) =	sbr.ind lr, $3  }
0x3a: {  	_ = 	snop  }
0x3b: {  	_ = 	snop  }
0x3c: {  	p2 =	seq.s32 s10, $0x1;
	s10 =	sld [smem:$0x3FB9]  }
0x3d: {  	_ =	shalt  }
0x3e: {  	_ =	shalt  }
0x3f: {  	_ =	shalt  }
0x40: {  	_ =	shalt  }
0x41: {  	_ =	shalt  }
0x42: {  	_ =	shalt  }
0x43: {  	_ =	shalt  }
0x44: {  	_ =	shalt  }
0x45: {  	_ =	shalt  }
0x46: {  	_ =	shalt  }
0x47: {  	_ =	shalt  }
0x48: {  	_ =	shalt  }
0x49: {  	_ =	shalt  }
0x4a: {  	_ =	shalt  }
0x4b: {  	_ =	shalt  }
0x4c: {  	_ =	shalt  }
0x4d: {  	_ =	shalt  }
0x4e: {  	_ =	shalt  }
0x4f: {  	_ =	shalt  }
0x50: {  	_ =	shalt  }
0x51: {  	_ =	shalt  }
0x52: {  	_ =	shalt  }
0x53: {  	_ =	shalt  }
0x54: {  	_ =	shalt  }
0x55: {  	_ =	shalt  }
0x56: {  	_ =	shalt  }
0x57: {  	_ =	shalt  }
0x58: {  	_ =	shalt  }
0x59: {  	_ =	shalt  }
0x5a: {  	_ =	shalt  }
0x5b: {  	_ =	shalt  }
0x5c: {  	_ =	shalt  }
0x5d: {  	_ =	shalt  }
0x5e: {  	_ =	shalt  }
0x5f: {  	_ =	shalt  }
0x60: {  	_ =	shalt  }
0x61: {  	_ =	shalt  }
0x62: {  	_ =	shalt  }
0x63: {  	_ =	shalt  }
0x64: {  	_ =	shalt  }
0x65: {  	_ =	shalt  }
0x66: {  	_ =	shalt  }
0x67: {  	_ =	shalt  }
0x68: {  	_ =	shalt  }
0x69: {  	_ =	shalt  }
0x6a: {  	_ =	shalt  }
0x6b: {  	_ =	shalt  }
0x6c: {  	_ =	shalt  }
0x6d: {  	_ =	shalt  }
0x6e: {  	_ =	shalt  }
0x6f: {  	_ =	shalt  }
0x70: {  	_ =	shalt  }
0x71: {  	_ =	shalt  }
0x72: {  	_ =	shalt  }
0x73: {  	_ =	shalt  }
0x74: {  	_ =	shalt  }
0x75: {  	_ =	shalt  }
0x76: {  	_ =	shalt  }
0x77: {  	_ =	shalt  }
0x78: {  	_ =	shalt  }
0x79: {  	_ =	shalt  }
0x7a: {  	_ =	shalt  }
0x7b: {  	_ =	shalt  }
0x7c: {  	_ =	shalt  }
0x7d: {  	_ =	shalt  }
0x7e: {  	_ =	shalt  }
0x7f: {  	_ =	shalt  }
0x80: {  	_ =	shalt  }
0x81: {  	_ =	shalt  }
0x82: {  	_ =	shalt  }
0x83: {  	_ =	shalt  }
0x84: {  	_ =	shalt  }
0x85: {  	_ =	shalt  }
0x86: {  	_ =	shalt  }
0x87: {  	_ =	shalt  }
.Lfunc_end0:
.L_simem_size_0:
called_computation_lowered:
.L_overlay_start_0:
0x88: {  	s2 =	sld [smem:$0x3FD9]  }
0x89: {  	s3 =	sld [smem:$0x3FFE];
	_ =	sdelay $0x1  }
0x8a: {  	s1 =	srdreg.scid  }
0x8b: {  	s0 =	sand.u32 $0x1, s1  }
0x8c: {  	s17 =	sshll.u32 s0, $0xA;
	s2 =	sadd.s32 s3, s2  }
0x8d: {  	s2 =	sadd.s32 s2, s17  }
0x8e: {  	[smem:$0x3FC5] =	sst s2  }
0x8f: {  	_ = 	snop  }
0x90: {  	s2 =	sld [smem:$0x3FD0];
	(tm) =	ssettm $0x1  }
0x91: {  	s18 =	sld [smem:$0x3FFB];
	_ =	sdelay $0x3  }
0x92: {  	_ =	strace s18  }
0x93: {  	s3 =	sld [smem:$0x3FFC];
	_ =	sdelay $0x3  }
0x94: {  	_ =	strace s3  }
0x95: {  	s3 =	sld [smem:$0x3FFD];
	_ =	sdelay $0x3  }
0x96: {  	_ =	strace s3  }
0x97: {  	_ =	strace $0x8FFFFFFF  }
0x98: {  	s19 =	sld [smem:$0x3FDB];
	_ =	sdelay $0x1  }
0x99: {  	s4 =	simm.s32 $_scs_section_size  }
0x9a: {  	s5 =	simm.s32 $_size__tile_overlayer_lowered;
	s6 =	simm.s32 $_tile_overlayer_lowered  }
0x9b: {  	s22 =	simm.s32 $0x1BFF;
	s21 =	sshll.u32 s6, $0x1;
	s3 =	sadd.s32 s4, s19  }
0x9c: {  	s7 =	simm.s32 $0x0;
	s20 =	sshll.u32 s5, $0x1;
	s5 =	sadd.s32 s21, s3  }
0x9d: {  	[timem:s7], [sflag:s22] =	dma.local [hbm:s5], s20  }
0x9e: {  	_ =	swait.ge [sflag:s22], s20  }
0x9f: {  	s4 =	ssub.s32 $0x0, s20;
	[sflag:s22] =	ssyncset.done $0x0  }
0xa0: {  	[sflag:s22] =	ssyncadd.s32 s4;
	_ =	sdelay $0x1  }
0xa1: {  	s23 =	simm.s32 $0x1B8B  }
0xa2: {  	_ =	swait.ge [sflag:s23], $0x1  }
0xa3: {  	[sflag:s23] =	ssyncset.done $0x0  }
0xa4: {  	s25 =	simm.s32 $0x1B8E;
	s24 =	sld [smem:$0x3FFE];
	[sflag:s23] =	ssyncadd.s32 $0xFFFFFFFF  }
0xa5: {  	s26 =	simm.s32 $execute0_lowered;
	[smem:$0x3FD2] =	sst s25  }
0xa6: {  	s5 =	sshll.u32 s26, $0x1;
	_ =	strace $0x80000046;
	[dreg:$0x1] =	wrdreg $0xFFFFFFFF  }
0xa7: {  	s28 =	simm.s32 $_size_execute0_lowered;
	s3 =	sadd.s32 s3, s5;
	[dreg:$0x0] =	wrdreg $0x0  }
0xa8: {  	s5 =	sshll.u32 s28, $0x1;
	[dreg:$0x2] =	wrdreg s3  }
0xa9: {  	[dreg:$0x3] =	wrdreg s5  }
0xaa: {  	[dreg:$0x4] =	wrdreg $0xC0  }
0xab: {  	_ =	task [dreg:s7], $0x5FFFF  }
0xac: {  	[dreg:$0x1] =	wrdreg $0xFFFFFFFF  }
0xad: {  	[dreg:$0x0] =	wrdreg $0x60  }
0xae: {  	[dreg:$0x2] =	wrdreg s24  }
0xaf: {  	[dreg:$0x3] =	wrdreg s2  }
0xb0: {  	[dreg:$0x4] =	wrdreg $0x9  }
0xb1: {  	_ =	task.clear_ibuf [dreg:s7], $0x5FFFF;
	_ =	strace $0x90000046  }
0xb2: {  	s29 =	simm.s32 $0x9;
	_ =	strace $0x80000048  }
0xb3: {  	_ =	swait.ge [sflag:s29], $0x1  }
0xb4: {  	[sflag:s29] =	ssyncadd.s32 $0xFFFFFFFF  }
0xb5: {  	_ =	strace $0x90000048  }
0xb6: {  	_ =	sfence  }
0xb7: {  	s30 =	sld [smem:$0x0];
	_ =	sdelay $0x2  }
0xb8: {  	s31 =	sshll.u32 s1, $0xD;
	s1 =	sshrl.u32 s1, $0x2  }
0xb9: {  	s3 =	sand.u32 $0x4000, s31;
	s1 =	sadd.s32 s1, s30  }
0xba: {  	s0 =	sor.u32 s3, s0;
	s1 =	sshll.u32 s1, $0x11  }
0xbb: {  	s0 =	sor.u32 s1, s0  }
0xbc: {  	s0 =	sadd.s32 $0x8F2B, s0  }
0xbd: {  	[sflag:s0] =	ssyncadd.remote.s32 $0x1  }
0xbe: {  	_ =	sfence.sel $0xFFFF  }
0xbf: {  	[dreg:$0x0] =	wrdreg $0xFFFFFFFF;
	(pc) =	sbr.abs _section_cstart, $3  }
0xc0: {  	[dreg:$0x1] =	wrdreg $0xFFFFFFFF  }
0xc1: {  	_ =	task.clear_ibuf [dreg:s7], $0x2FFFF;
	_ =	strace $0x9FFFFFFF  }
0xc2: {  	(tm) =	ssettm $0x7FFFFFFF  }
0xc3: {  	_ =	shalt  }
tec
execute0_lowered:
.L_overlay_start_1:
0x0: {  	(tag) =	ssettag $0x1  }
0x1: {  	s0 =	rddreg [dreg:$0x0];
	s1 =	srdreg.scid  }
0x2: {  	s2 =	stileid.u32;
	s5 =	rddreg [dreg:$0x1]  }
0x3: {  	s3 =	simm.s32 $0x0;
	s13 =	simm.s32 $0x2;
	s14 =	simm.s32 $0x80  }
0x4: {  	s16 =	simm.s32 $0x400;
	s30 =	simm.s32 $0x7400;
	s31 =	simm.s32 $0x1  }
0x5: {  	s12 =	simm.s32 $0x10400;
	s11 =	simm.s32 $0x16400;
	s15 =	simm.s32 $0x0  }
0x6: {  	s1 =	sand.u32 $0x1, s1;
	s2 =	sshll.u32 s2, $0x1;
	[smem:$0x7FF] =	sst s3  }
0x7: {  	s4 =	sadd.s32 $0x19800, s0;
	s8 =	sadd.s32 $0x1000, s5;
	s9 =	sadd.s32 $0x2000, s5  }
0x8: {  	s10 =	sadd.s32 $0x3000, s5;
	s5 =	simm.s32 $0x14400;
	s2 =	sor.u32 s1, s2  }
0x9: {  	_ =	strace $0x80000047;
	s1 =	ssub.s32 $0x2, s1;
	s28 =	sshll.u32 s2, $0x4  }
0xa: {  	s29 =	sshrl.u32 s1, $0x1;
	s3 =	sadd.s32 s28, s0;
	s0 =	sadd.s32 $0x400, s0  }
0xb: {  	v0 =	vlaneseq.u32;
	s7 =	sshll.u32 s2, $0x7;
	[dreg:$0x3] =	wrdreg s0;
	s0 =	ssub.s32 s1, s29  }
0xc: {  	v1 =	vand.u32 $0x7, v0;
	v2 =	vmul.u32 $0x20, v0;
	v3 =	vor.u32 $0x10, v0;
	s6 =	sadd.s32 $0x800, s3;
	s1 =	simm.s32 $0x8400;
	s0 =	smax.u32 s0, $0x1  }
0xd: {  	v4 =	vor.u32 $0x30, v0;
	v5 =	vor.u32 $0x50, v0;
	v6 =	vor.u32 $0x70, v0;
	s3 =	simm.s32 $0x12400;
	[dreg:$0x4] =	wrdreg s0;
	s0 =	simm.s32 $0x20000  }
.LBB2_1:
0xe: {  	[dreg:$0x5] =	wrdreg s15  }
0xf: {  	s2 =	simm.s32 $0x0;
	s29 =	rddreg [dreg:$0x3];
	s17 =	simm.s32 $0x18400  }
0x10: {  	[tilespmem:s17], [sflag:$0x2] =	stream.linear.gather [hbm4b:s29+s2], $0x1900, $0x38;
	[tilespmem:$0x19D00] =	vst v63  }
0x11: {  	_ =	swait.ge [sflag:s13], $0x1900  }
0x12: {  	[sflag:s13] =	ssyncset.done $0x0  }
0x13: {  	s2 =	simm.s32 $0x0;
	[sflag:s13] =	ssyncadd.s32 $0xFFFFE700  }
.LBB2_2:
0x14: {  	s15 =	sshll.u32 s2, $0xC  }
0x15: {  	s17 =	simm.s32 $0x0;
	s18 =	simm.s32 $0x1000;
	s15 =	sadd.s32 s15, s6  }
0x16: {  	[tilespmem:s17], [sflag:$0x2] =	stream.strided.gather [hbm4b:s15+s14], $0x400, s18, s14, $0x38;
	[tilespmem:$0x19D00] =	vst v63  }
0x17: {  	s28 =	sand.u32 $0xE00, s17;
	_ =	swait.ge [sflag:s13], $0x400  }
0x18: {  	s17 =	sand.u32 $0x40, s17;
	s15 =	sshrl.u32 s28, $0x2;
	[sflag:s13] =	ssyncset.done $0x0  }
0x19: {  	s17 =	sor.u32 s17, s15;
	[sflag:s13] =	ssyncadd.s32 $0xFFFFFC00  }
0x1a: {  	v7 =	vld [tilespmem:s17+$0x30]  }
0x1b: {  	v8 =	vld [tilespmem:s17+$0x0]  }
0x1c: {  	v10 =	vld [tilespmem:s17+$0x20]  }
0x1d: {  	v9 =	vld [tilespmem:s17+$0x10];
	_ =	sdelay $0x1  }
0x1e: {  	v11 =	vshll.u32 v7, $0x2  }
0x1f: {  	s29 =	simm.s32 $0x100;
	v12 =	vand.u32 $0xFFFFC000, v7;
	v7 =	vshrl.u32 v7, $0xC;
	v13 =	vshll.u32 v8, $0x2  }
0x20: {  	s18 =	simm.s32 $0x40;
	s15 =	sand.u32 $0xE00, s29;
	v14 =	vshll.u32 v10, $0x2;
	v15 =	vand.u32 $0xFFFFC000, v8;
	v8 =	vshrl.u32 v8, $0xC  }
0x21: {  	s19 =	sand.u32 $0x40, s18;
	s15 =	sshrl.u32 s15, $0x2;
	v16 =	vand.u32 $0xFFFFC000, v9;
	v11 =	vand.u32 $0x3FFC, v11;
	v7 =	vand.u32 $0x3, v7  }
0x22: {  	s15 =	sor.u32 s19, s15;
	v8 =	vand.u32 $0x3, v8;
	v11 =	vor.u32 v12, v11;
	v12 =	vshll.u32 v9, $0x2  }
0x23: {  	v7 =	vor.u32 v7, v11;
	v11 =	vand.u32 $0x3FFC, v13;
	v13 =	vand.u32 $0x3FFC, v14;
	v14 =	vld [tilespmem:s15+$0x30]  }
0x24: {  	v9 =	vshrl.u32 v9, $0xC;
	v12 =	vand.u32 $0x3FFC, v12;
	v11 =	vor.u32 v15, v11;
	[tilespmem:s17+$0x30] =	vst v7;
	v7 =	vld [tilespmem:s15+$0x0]  }
0x25: {  	v9 =	vand.u32 $0x3, v9;
	v12 =	vor.u32 v16, v12;
	v11 =	vor.u32 v8, v11;
	v8 =	vld [tilespmem:s15+$0x10]  }
0x26: {  	v17 =	vand.u32 $0xFFFFC000, v10;
	v10 =	vshrl.u32 v10, $0xC;
	v15 =	vor.u32 v9, v12;
	v9 =	vld [tilespmem:s15+$0x20]  }
0x27: {  	v10 =	vand.u32 $0x3, v10;
	v13 =	vor.u32 v17, v13  }
0x28: {  	v10 =	vor.u32 v10, v13;
	[tilespmem:s17+$0x0] =	vst v11;
	v12 =	vshll.u32 v14, $0x2  }
0x29: {  	s20 =	simm.s32 $0x200;
	s19 =	simm.s32 $0x4;
	[tilespmem:s17+$0x10] =	vst v15;
	v11 =	vand.u32 $0xFFFFC000, v14;
	v13 =	vshrl.u32 v14, $0xC;
	v12 =	vand.u32 $0x3FFC, v12  }
.LBB2_3:
0x2a: {  	s21 =	sand.u32 $0xE00, s20;
	s19 =	sadd.s32 $0x4, s19;
	v14 =	vshll.u32 v7, $0x2;
	v11 =	vor.u32 v11, v12;
	v12 =	vand.u32 $0x3, v13;
	s18 =	sadd.s32 $0x40, s18;
	[tilespmem:s17+$0x20] =	vst v10  }
0x2b: {  	v10 =	vshll.u32 v8, $0x2;
	s22 =	sand.u32 $0x40, s18;
	s21 =	sshrl.u32 s21, $0x2;
	p0 =	slt.u32 s19, $0x3C;
	v13 =	vshll.u32 v9, $0x2;
	v11 =	vor.u32 v12, v11  }
0x2c: {  	s17 =	smov.u32 s15;
	v12 =	vand.u32 $0x3FFC, v14;
	v10 =	vand.u32 $0x3FFC, v10;
	v13 =	vand.u32 $0x3FFC, v13;
	[tilespmem:s15+$0x30] =	vst v11;
	s15 =	sor.u32 s22, s21  }
0x2d: {  	v15 =	vshrl.u32 v7, $0xC;
	v16 =	vand.u32 $0xFFFFC000, v8;
	v11 =	vand.u32 $0xFFFFC000, v7;
	v14 =	vld [tilespmem:s15+$0x30]  }
0x2e: {  	v17 =	vshrl.u32 v8, $0xC;
	v18 =	vand.u32 $0xFFFFC000, v9;
	v19 =	vshrl.u32 v9, $0xC;
	v7 =	vld [tilespmem:s15+$0x0]  }
.Ltmp0:
0x2f: {  	v10 =	vor.u32 v16, v10;
	v11 =	vor.u32 v11, v12;
	v12 =	vor.u32 v18, v13;
	v8 =	vld [tilespmem:s15+$0x10];
	(pc) =	sbr.rel @p0 .LBB2_3-.Ltmp0, $4  }
0x30: {  	v16 =	vand.u32 $0x3, v19;
	v13 =	vand.u32 $0x3, v15;
	v15 =	vand.u32 $0x3, v17;
	v9 =	vld [tilespmem:s15+$0x20]  }
0x31: {  	v11 =	vor.u32 v13, v11;
	v15 =	vor.u32 v15, v10;
	v10 =	vor.u32 v16, v12  }
0x32: {  	v12 =	vshll.u32 v14, $0x2;
	[tilespmem:s17+$0x0] =	vst v11  }
0x33: {  	s20 =	sadd.s32 $0x100, s20;
	v11 =	vand.u32 $0xFFFFC000, v14;
	v13 =	vshrl.u32 v14, $0xC;
	v12 =	vand.u32 $0x3FFC, v12;
	[tilespmem:s17+$0x10] =	vst v15  }
0x34: {  	v14 =	vshll.u32 v7, $0x2;
	v11 =	vor.u32 v11, v12  }
0x35: {  	v12 =	vand.u32 $0x3, v13;
	v13 =	vshll.u32 v8, $0x2;
	v16 =	vand.u32 $0xFFFFC000, v8  }
0x36: {  	v8 =	vshrl.u32 v8, $0xC;
	v15 =	vshll.u32 v9, $0x2;
	v11 =	vor.u32 v12, v11  }
0x37: {  	v12 =	vand.u32 $0x3FFC, v14;
	v13 =	vand.u32 $0x3FFC, v13;
	v17 =	vand.u32 $0xFFFFC000, v9  }
0x38: {  	v9 =	vshrl.u32 v9, $0xC;
	v8 =	vand.u32 $0x3, v8;
	v14 =	vand.u32 $0x3FFC, v15  }
0x39: {  	v15 =	vand.u32 $0xFFFFC000, v7;
	v7 =	vshrl.u32 v7, $0xC;
	[tilespmem:s15+$0x30] =	vst v11;
	v11 =	vor.u32 v16, v13  }
0x3a: {  	[tilespmem:s17+$0x20] =	vst v10;
	v10 =	vor.u32 v15, v12;
	v7 =	vand.u32 $0x3, v7;
	v8 =	vor.u32 v8, v11  }
0x3b: {  	v9 =	vand.u32 $0x3, v9;
	v7 =	vor.u32 v7, v10;
	v10 =	vor.u32 v17, v14;
	[tilespmem:s15+$0x10] =	vst v8  }
0x3c: {  	[tilespmem:s15+$0x0] =	vst v7;
	v7 =	vor.u32 v9, v10  }
0x3d: {  	s17 =	simm.s32 $0x0;
	[tilespmem:s15+$0x20] =	vst v7  }
0x3e: {  	[tilespmem:s16], [sflag:$0x1] =	stream.indirect.gather [hbm4b:s4+s14], $0x20, s17, s14, $0xb8;
	[tilespmem:$0x19D00] =	vst v63  }
0x3f: {  	s25 =	simm.s32 $0x1400  }
0x40: {  	[tilespmem:s25], [sflag:$0x1] =	stream.indirect.gather [hbm4b:s4+s14], $0x20, s14, s14, $0xb8;
	[tilespmem:$0x19D00] =	vst v63  }
0x41: {  	s26 =	simm.s32 $0x100;
	s18 =	simm.s32 $0x2400  }
0x42: {  	[tilespmem:s18], [sflag:$0x1] =	stream.indirect.gather [hbm4b:s4+s14], $0x20, s26, s14, $0xb8;
	[tilespmem:$0x19D00] =	vst v63  }
0x43: {  	s28 =	simm.s32 $0x180;
	s29 =	simm.s32 $0x3400  }
0x44: {  	[tilespmem:s29], [sflag:$0x1] =	stream.indirect.gather [hbm4b:s4+s14], $0x20, s28, s14, $0xb8;
	[tilespmem:$0x19D00] =	vst v63  }
0x45: {  	s19 =	simm.s32 $0x200;
	s20 =	simm.s32 $0x4400  }
0x46: {  	[tilespmem:s20], [sflag:$0x1] =	stream.indirect.gather [hbm4b:s4+s14], $0x20, s19, s14, $0xb8;
	[tilespmem:$0x19D00] =	vst v63  }
0x47: {  	s21 =	simm.s32 $0x280;
	s22 =	simm.s32 $0x5400  }
0x48: {  	[tilespmem:s22], [sflag:$0x1] =	stream.indirect.gather [hbm4b:s4+s14], $0x20, s21, s14, $0xb8;
	[tilespmem:$0x19D00] =	vst v63  }
0x49: {  	s23 =	simm.s32 $0x300;
	s24 =	simm.s32 $0x6400  }
0x4a: {  	[tilespmem:s24], [sflag:$0x1] =	stream.indirect.gather [hbm4b:s4+s14], $0x20, s23, s14, $0xb8;
	[tilespmem:$0x19D00] =	vst v63  }
0x4b: {  	s25 =	simm.s32 $0x380  }
0x4c: {  	[tilespmem:s30], [sflag:$0x1] =	stream.indirect.gather [hbm4b:s4+s14], $0x20, s25, s14, $0xb8;
	[tilespmem:$0x19D00] =	vst v63  }
0x4d: {  	_ =	swait.ge [sflag:s31], $0x1000  }
0x4e: {  	[sflag:s31] =	ssyncset.done $0x0  }
0x4f: {  	[sflag:s31] =	ssyncadd.s32 $0xFFFFF000  }
0x50: {  	_ =	swait.ge [sflag:s31], $0x1000  }
0x51: {  	[sflag:s31] =	ssyncset.done $0x0  }
0x52: {  	[sflag:s31] =	ssyncadd.s32 $0xFFFFF000  }
0x53: {  	_ =	swait.ge [sflag:s31], $0x1000  }
0x54: {  	[sflag:s31] =	ssyncset.done $0x0  }
0x55: {  	[sflag:s31] =	ssyncadd.s32 $0xFFFFF000  }
0x56: {  	_ =	swait.ge [sflag:s31], $0x1000  }
0x57: {  	[sflag:s31] =	ssyncset.done $0x0  }
0x58: {  	[sflag:s31] =	ssyncadd.s32 $0xFFFFF000  }
0x59: {  	_ =	swait.ge [sflag:s31], $0x1000  }
0x5a: {  	[sflag:s31] =	ssyncset.done $0x0  }
0x5b: {  	[sflag:s31] =	ssyncadd.s32 $0xFFFFF000  }
0x5c: {  	_ =	swait.ge [sflag:s31], $0x1000  }
0x5d: {  	[sflag:s31] =	ssyncset.done $0x0  }
0x5e: {  	[sflag:s31] =	ssyncadd.s32 $0xFFFFF000  }
0x5f: {  	_ =	swait.ge [sflag:s31], $0x1000  }
0x60: {  	s26 =	sshll.u32 s2, $0x8;
	[sflag:s31] =	ssyncset.done $0x0  }
0x61: {  	s15 =	sand.u32 $0x3FFFFF00, s26;
	[sflag:s31] =	ssyncadd.s32 $0xFFFFF000  }
0x62: {  	s15 =	sadd.s32 $0x18400, s15;
	_ =	swait.ge [sflag:s31], $0x1000  }
0x63: {  	s17 =	sand.u32 $0xE0, s17;
	s18 =	simm.s32 $0x480;
	v7 =	vmov s15;
	[sflag:s31] =	ssyncset.done $0x0  }
0x64: {  	s29 =	simm.s32 $0x0;
	s19 =	simm.s32 $0x2;
	[sflag:s31] =	ssyncadd.s32 $0xFFFFF000  }
0x65: {  	s15 =	simm.s32 $0x0;
	s20 =	simm.s32 $0x1;
	s19 =	sand.u32 $0x7A, s19;
	v13 =	vld [tilespmem:s18+$0x20]  }
0x66: {  	v14 =	vor.u32 s29, v1;
	s20 =	sand.u32 $0x79, s20;
	s21 =	sand.u32 $0x78, s15;
	s22 =	simm.s32 $0xFFFFFFF7;
	v15 =	vadd.s32 s19, v0;
	v9 =	vld [tilespmem:s18+$0xFFFFFFD0]  }
0x67: {  	s26 =	simm.s32 $0x5;
	s19 =	sadd.s32 $0x10, s19;
	v20 =	vadd.s32 s20, v0;
	v8 =	vadd.s32 s21, v0;
	v11 =	vadd.s32 s22, v0;
	s21 =	sadd.s32 $0x10, s21;
	v17 =	vld [tilespmem:s18+$0xFFFFFFE0]  }
0x68: {  	v18 =	vadd.s32 s19, v0;
	s19 =	sand.u32 $0x7D, s26;
	v20 =	vand.u32 $0x1F, v20;
	v16 =	vadd.s32 s21, v0;
	v10 =	vld.idx.msk [tilespmem:v7+s17+$0x10 ss:$0x1], $0xffff  }
0x69: {  	s29 =	simm.s32 $0x3;
	s23 =	simm.s32 $0x7;
	v22 =	vand.u32 $0x1F, v11;
	v8 =	vand.u32 $0x18, v8;
	v21 =	vadd.s32 s19, v0;
	s19 =	sadd.s32 $0x10, s19;
	v30 =	vld.idx.msk [tilespmem:v7+s17+$0x0 ss:$0x1], $0xffff  }
0x6a: {  	s21 =	sand.u32 $0x7B, s29;
	s28 =	sand.u32 $0x7F, s23;
	v26 =	vor.u32 v8, v14;
	v8 =	vand.u32 $0x18, v16;
	v27 =	vadd.s32 s19, v0;
	v24 =	vld [tilespmem:s18+$0x40]  }
0x6b: {  	s24 =	simm.s32 $0x6;
	s22 =	sadd.s32 $0x10, s21;
	v12 =	vadd.s32 s28, v0;
	v32 =	vor.u32 v8, v14;
	v14 =	vand.u32 $0x1F, v15;
	v31 =	vld [tilespmem:s18+$0x10]  }
0x6c: {  	s23 =	simm.s32 $0x20;
	s25 =	sand.u32 $0x7E, s24;
	v15 =	vadd.s32 s21, v0;
	v16 =	vadd.s32 s22, v0;
	v8 =	vand.u32 $0x1F, v18;
	v29 =	vld [tilespmem:s18+$0xFFFFFF90]  }
0x6d: {  	s24 =	simm.s32 $0x40;
	v18 =	vand.u32 $0x1F, v21;
	v28 =	vor.u32 s23, v20;
	v19 =	vadd.s32 s25, v0;
	s28 =	sadd.s32 $0x10, s25;
	v25 =	vld [tilespmem:s18+$0xFFFFFF80]  }
0x6e: {  	s20 =	sadd.s32 $0x10, s20;
	v8 =	vor.u32 s24, v8;
	v15 =	vand.u32 $0x1F, v15;
	s25 =	simm.s32 $0xA0;
	v23 =	vadd.s32 s28, v0;
	s17 =	simm.s32 $0xE0;
	v20 =	vld [tilespmem:s18+$0xFFFFFFA0]  }
0x6f: {  	s26 =	simm.s32 $0x60;
	v35 =	vor.u32 s25, v18;
	v34 =	vld [tilespmem:s18+$0x0];
	v11 =	vor.u32 s17, v12;
	v12 =	vadd.s32 s20, v0  }
0x70: {  	v18 =	vor.u32 s26, v15;
	s28 =	simm.s32 $0xC0;
	v15 =	vand.u32 $0x1F, v19;
	v19 =	vld [tilespmem:s18+$0x50];
	v12 =	vand.u32 $0x1F, v12  }
0x71: {  	v37 =	vor.u32 s28, v15;
	v38 =	vld [tilespmem:s18+$0xFFFFFFB0];
	v21 =	vor.u32 s23, v12;
	v12 =	vand.u32 $0x1F, v16  }
0x72: {  	v23 =	vand.u32 $0x1F, v23;
	v40 =	vld [tilespmem:s18+$0xFFFFFFC0];
	v16 =	vor.u32 s26, v12;
	v9 =	vadd.f32 v9, v10  }
0x73: {  	v36 =	vld [tilespmem:s18+$0x60];
	v15 =	vadd.f32 v30, v25;
	v39 =	vadd.f32 v20, v30;
	v20 =	vor.u32 s28, v23  }
0x74: {  	v33 =	vld [tilespmem:s18+$0xFFFFFFF0];
	v23 =	vadd.f32 v13, v30;
	v13 =	vor.u32 s24, v14;
	v14 =	vadd.f32 v24, v30  }
0x75: {  	s29 =	simm.s32 $0x4;
	v12 =	vand.u32 $0x1F, v27;
	v27 =	vld [tilespmem:s18+$0x30];
	v25 =	vadd.f32 v17, v30;
	v63 =	vadd.f32 v10, v29;
	[tilespmem:v26+s1+$0x0] =	vst.idx.msk $0xffff, v15  }
0x76: {  	s19 =	sand.u32 $0x7C, s29;
	v12 =	vor.u32 s25, v12;
	v24 =	vadd.f32 v19, v10;
	v29 =	vadd.f32 v38, v10;
	[tilespmem:v37+s1+$0x0] =	vst.idx.msk $0xffff, v14;
	v14 =	vld [tilespmem:s18+$0x70]  }
0x77: {  	v17 =	vadd.s32 s19, v0;
	v19 =	vadd.f32 v40, v30;
	v15 =	vadd.f32 v34, v30;
	[tilespmem:v28+s1+$0x0] =	vst.idx.msk $0xffff, v39  }
0x78: {  	s21 =	simm.s32 $0x80;
	s20 =	sadd.s32 $0x10, s19;
	v28 =	vadd.f32 v36, v30;
	[tilespmem:v35+s1+$0x0] =	vst.idx.msk $0xffff, v23;
	v23 =	vor.u32 s17, v22;
	v22 =	vand.u32 $0x1F, v17  }
0x79: {  	s19 =	simm.s32 $0x580;
	v26 =	vadd.f32 v33, v10;
	s17 =	simm.s32 $0x1E0;
	v17 =	vadd.f32 v31, v10;
	s18 =	simm.s32 $0x2;
	[tilespmem:v32+s1+$0x0] =	vst.idx.msk $0xffff, v63;
	v22 =	vor.u32 s21, v22  }
.LBB2_5:
0x7a: {  	s22 =	sadd.s32 $0x9, s15  }
0x7b: {  	s23 =	sadd.s32 $0xA, s15;
	v30 =	vld [tilespmem:s19+$0x20];
	v31 =	vadd.s32 s20, v0;
	v27 =	vadd.f32 v27, v10;
	v32 =	vadd.f32 v14, v10;
	[tilespmem:v11+s1+$0x0] =	vst.idx.msk $0xffff, v28;
	s20 =	smov.u32 s15;
	s15 =	sadd.s32 $0x8, s15  }
0x7c: {  	s24 =	sand.u32 $0x78, s15;
	s23 =	sand.u32 $0x7A, s23;
	v28 =	vld [tilespmem:s19+$0xFFFFFFD0];
	s25 =	sadd.s32 $0xFFFFFFFF, s20;
	[tilespmem:v21+s1+$0x0] =	vst.idx.msk $0xffff, v29;
	v10 =	vand.u32 $0x1F, v31  }
0x7d: {  	s22 =	sand.u32 $0x79, s22;
	s26 =	sadd.s32 $0xB, s20;
	s28 =	sadd.s32 $0xF, s20;
	v11 =	vadd.s32 s24, v0;
	v21 =	vadd.s32 s23, v0;
	v14 =	vld [tilespmem:s19+$0x70];
	v29 =	vadd.s32 s25, v0  }
0x7e: {  	s29 =	sadd.s32 $0xE, s20;
	v31 =	vadd.s32 s22, v0;
	s25 =	sadd.s32 $0xD, s20;
	s28 =	sand.u32 $0x7F, s28;
	v33 =	vld [tilespmem:s19+$0xFFFFFFE0];
	v29 =	vand.u32 $0x1F, v29;
	[tilespmem:v18+s1+$0x0] =	vst.idx.msk $0xffff, v25;
	v18 =	vor.u32 s21, v10  }
0x7f: {  	s24 =	sadd.s32 $0x10, s24;
	s21 =	sadd.s32 $0xFFFFFF20, s17;
	v10 =	vand.u32 $0x18, v11;
	v25 =	vand.u32 $0x1F, v31;
	s25 =	sand.u32 $0x7D, s25;
	v11 =	vadd.s32 s28, v0;
	v31 =	vld [tilespmem:s19+$0x40];
	[tilespmem:v16+s1+$0x0] =	vst.idx.msk $0xffff, v26  }
0x80: {  	p0 =	slt.u32 s15, $0x3F8;
	s20 =	sadd.s32 $0xC, s20;
	v16 =	vor.u32 s21, v1;
	v26 =	vadd.s32 s24, v0;
	v35 =	vadd.s32 s25, v0;
	v34 =	vld [tilespmem:s19+$0x10]  }
0x81: {  	s21 =	sand.u32 $0xE0, s18;
	s24 =	sand.u32 $0x7E, s29;
	v11 =	vor.u32 s17, v11;
	v37 =	vor.u32 v10, v16;
	v26 =	vand.u32 $0x18, v26;
	v36 =	vld [tilespmem:s19+$0xFFFFFF90];
	[tilespmem:v20+s1+$0x0] =	vst.idx.msk $0xffff, v24  }
0x82: {  	s23 =	sadd.s32 $0x10, s23;
	s28 =	sadd.s32 $0x10, s24;
	v38 =	vor.u32 v26, v16;
	v24 =	vand.u32 $0x1F, v21;
	v16 =	vand.u32 $0x1F, v35;
	v10 =	vld.idx.msk [tilespmem:v7+s21+$0x10 ss:$0x1], $0xffff;
	[tilespmem:v23+s1+$0x0] =	vst.idx.msk $0xffff, v32  }
0x83: {  	s22 =	sadd.s32 $0x10, s22;
	v20 =	vadd.s32 s23, v0;
	s23 =	sand.u32 $0x7B, s26;
	v23 =	vadd.s32 s24, v0;
	v32 =	vadd.s32 s28, v0;
	v26 =	vld [tilespmem:s19+$0xFFFFFFF0]  }
0x84: {  	v21 =	vadd.s32 s22, v0;
	s22 =	sadd.s32 $0xFFFFFF60, s17;
	v20 =	vand.u32 $0x1F, v20;
	v39 =	vadd.s32 s23, v0;
	v35 =	vld.idx.msk [tilespmem:v7+s21+$0x0 ss:$0x1], $0xffff;
	s21 =	sadd.s32 $0xFFFFFF40, s17;
	[tilespmem:v12+s1+$0x0] =	vst.idx.msk $0xffff, v27  }
0x85: {  	s23 =	sadd.s32 $0x10, s23;
	s24 =	sadd.s32 $0x10, s25;
	v20 =	vor.u32 s22, v20;
	v12 =	vld [tilespmem:s19+$0xFFFFFF80];
	v40 =	vor.u32 s21, v25;
	v25 =	vand.u32 $0x1F, v39;
	[tilespmem:v22+s1+$0x0] =	vst.idx.msk $0xffff, v15  }
0x86: {  	v21 =	vand.u32 $0x1F, v21;
	v27 =	vadd.s32 s24, v0;
	v22 =	vadd.s32 s23, v0;
	s23 =	sadd.s32 $0xFFFFFFC0, s17;
	v15 =	vld [tilespmem:s19+$0xFFFFFFA0];
	[tilespmem:v13+s1+$0x0] =	vst.idx.msk $0xffff, v19  }
0x87: {  	v21 =	vor.u32 s21, v21;
	s21 =	sadd.s32 $0xFFFFFF80, s17;
	v13 =	vand.u32 $0x1F, v22;
	v22 =	vor.u32 s23, v16;
	v19 =	vld [tilespmem:s19+$0x0];
	[tilespmem:v18+s1+$0x0] =	vst.idx.msk $0xffff, v17  }
0x88: {  	v18 =	vor.u32 s21, v25;
	v16 =	vor.u32 s21, v13;
	s21 =	sadd.s32 $0xFFFFFFE0, s17;
	v13 =	vand.u32 $0x1F, v23;
	v17 =	vld [tilespmem:s19+$0x60];
	[tilespmem:v8+s1+$0x0] =	vst.idx.msk $0xffff, v9;
	v8 =	vmovc v20  }
0x89: {  	v9 =	vadd.f32 v28, v10;
	v20 =	vand.u32 $0x1F, v27;
	v39 =	vor.u32 s21, v13;
	v23 =	vld [tilespmem:s19+$0x50]  }
0x8a: {  	v13 =	vadd.f32 v35, v12;
	v41 =	vld [tilespmem:s19+$0xFFFFFFB0];
	v12 =	vor.u32 s23, v20;
	v20 =	vand.u32 $0x1F, v32  }
0x8b: {  	s20 =	sand.u32 $0x7C, s20;
	v25 =	vadd.f32 v33, v35;
	v28 =	vadd.f32 v15, v35;
	v32 =	vld [tilespmem:s19+$0xFFFFFFC0];
	v20 =	vor.u32 s21, v20  }
.Ltmp1:
0x8c: {  	v30 =	vadd.f32 v30, v35;
	[tilespmem:v37+s1+$0x0] =	vst.idx.msk $0xffff, v13;
	v15 =	vadd.f32 v19, v35;
	v19 =	vadd.s32 s20, v0;
	v27 =	vld [tilespmem:s19+$0x30];
	(pc) =	sbr.rel @p0 .LBB2_5-.Ltmp1, $4  }
0x8d: {  	v31 =	vadd.f32 v31, v35;
	v13 =	vor.u32 s22, v24;
	[tilespmem:v40+s1+$0x0] =	vst.idx.msk $0xffff, v28;
	v28 =	vadd.f32 v17, v35  }
0x8e: {  	v17 =	vadd.f32 v10, v36;
	[tilespmem:v22+s1+$0x0] =	vst.idx.msk $0xffff, v30;
	v24 =	vadd.f32 v23, v10;
	v23 =	vor.u32 s17, v29  }
0x8f: {  	v26 =	vadd.f32 v26, v10;
	s21 =	sadd.s32 $0xFFFFFFA0, s17;
	v22 =	vand.u32 $0x1F, v19;
	s17 =	sadd.s32 $0x100, s17;
	v29 =	vadd.f32 v41, v10;
	[tilespmem:v39+s1+$0x0] =	vst.idx.msk $0xffff, v31  }
0x90: {  	s18 =	sadd.s32 $0x2, s18;
	s20 =	sadd.s32 $0x10, s20;
	s19 =	sadd.s32 $0x100, s19;
	v22 =	vor.u32 s21, v22;
	[tilespmem:v38+s1+$0x0] =	vst.idx.msk $0xffff, v17;
	v19 =	vadd.f32 v32, v35;
	v17 =	vadd.f32 v34, v10  }
0x91: {  	_ =	sdelay $0x3  }
0x92: {  	[tilespmem:v11+s1+$0x0] =	vst.idx.msk $0xffff, v28  }
0x93: {  	s15 =	simm.s32 $0x0;
	[tilespmem:v18+s1+$0x0] =	vst.idx.msk $0xffff, v25  }
0x94: {  	v7 =	vadd.s32 s20, v0;
	[tilespmem:v22+s1+$0x0] =	vst.idx.msk $0xffff, v15;
	s18 =	sand.u32 $0x18, s15  }
0x95: {  	v11 =	vadd.f32 v14, v10;
	v7 =	vand.u32 $0x1F, v7;
	[tilespmem:v16+s1+$0x0] =	vst.idx.msk $0xffff, v26;
	s20 =	sor.u32 $0x7, s18  }
0x96: {  	v10 =	vadd.f32 v27, v10;
	s25 =	simm.s32 $0x0;
	[tilespmem:v13+s1+$0x0] =	vst.idx.msk $0xffff, v19;
	v16 =	vor.u32 s21, v7;
	v7 =	vadd.s32 s20, v0  }
0x97: {  	v18 =	vor.u32 s25, v2;
	s17 =	sor.u32 $0x200, s25;
	[tilespmem:v23+s1+$0x0] =	vst.idx.msk $0xffff, v11;
	v15 =	vadd.s32 s18, v3;
	s19 =	sor.u32 $0x2, s18;
	v14 =	vand.u32 $0x1F, v7  }
0x98: {  	[tilespmem:v12+s1+$0x0] =	vst.idx.msk $0xffff, v10;
	s22 =	sor.u32 $0x1, s18;
	s24 =	sor.u32 $0x4, s18;
	v22 =	vor.u32 s17, v2;
	v12 =	vadd.s32 s19, v0;
	v11 =	vor.u32 v18, v14  }
0x99: {  	[tilespmem:v8+s1+$0x0] =	vst.idx.msk $0xffff, v9;
	v10 =	vadd.s32 s22, v0;
	v8 =	vand.u32 $0x1F, v12;
	v12 =	vadd.s32 s24, v0  }
0x9a: {  	[tilespmem:v20+s1+$0x0] =	vst.idx.msk $0xffff, v24;
	v7 =	vadd.s32 s18, v0;
	v20 =	vor.u32 v18, v8;
	v12 =	vand.u32 $0x1F, v12  }
0x9b: {  	[tilespmem:v21+s1+$0x0] =	vst.idx.msk $0xffff, v29;
	v10 =	vand.u32 $0x1F, v10;
	v7 =	vand.u32 $0x18, v7;
	v57 =	vor.u32 v18, v12  }
0x9c: {  	s21 =	sor.u32 $0x3, s18;
	v9 =	vadd.s32 s20, v3;
	v19 =	vor.u32 v18, v10;
	v13 =	vor.u32 v18, v7;
	[tilespmem:v16+s1+$0x0] =	vst.idx.msk $0xffff, v17  }
0x9d: {  	v16 =	vadd.s32 s21, v0;
	v17 =	vor.u32 v1, v13;
	v21 =	vld.idx.msk [tilespmem:v11+s1+$0x0], $0xffff;
	v11 =	vand.u32 $0x1F, v9  }
0x9e: {  	v60 =	vadd.s32 s19, v3;
	v9 =	vand.u32 $0x1F, v16;
	v16 =	vor.u32 v11, v22  }
0x9f: {  	s26 =	sor.u32 $0x5, s18;
	s28 =	sadd.s32 $0x0, s18;
	v30 =	vadd.s32 s24, v3;
	v26 =	vand.u32 $0x1F, v60;
	v20 =	vld.idx.msk [tilespmem:v20+s1+$0x0], $0xffff;
	v23 =	vor.u32 v18, v9  }
0xa0: {  	s23 =	sor.u32 $0x6, s18;
	s17 =	sshll.u32 s28, $0xA;
	v30 =	vand.u32 $0x1F, v30;
	v26 =	vor.u32 v26, v22;
	v11 =	vadd.s32 s26, v0;
	v25 =	vld.idx.msk [tilespmem:v57+s1+$0x0], $0xffff  }
0xa1: {  	v56 =	vadd.s32 s23, v0;
	s17 =	sand.u32 $0x3FFFFC00, s17;
	v30 =	vor.u32 v30, v22;
	v19 =	vld.idx.msk [tilespmem:v19+s1+$0x0], $0xffff;
	v13 =	vand.u32 $0x1F, v11  }
0xa2: {  	v15 =	vand.u32 $0x18, v15;
	v17 =	vld.idx.msk [tilespmem:v17+s1+$0x0], $0xffff;
	v11 =	vand.u32 $0x1F, v56;
	v58 =	vor.u32 v18, v13;
	[tilespmem:s17+$0x10780] =	vst v21  }
0xa3: {  	v59 =	vadd.s32 s22, v3;
	v15 =	vor.u32 v22, v15;
	v18 =	vor.u32 v18, v11;
	v16 =	vld.idx.msk [tilespmem:v16+s1+$0x0], $0xffff  }
0xa4: {  	s28 =	sor.u32 $0x400, s25;
	v15 =	vor.u32 v1, v15;
	v21 =	vand.u32 $0x1F, v59;
	[tilespmem:s17+$0x10500] =	vst v20;
	v23 =	vld.idx.msk [tilespmem:v23+s1+$0x0], $0xffff  }
0xa5: {  	v62 =	vadd.s32 s21, v3;
	v61 =	vor.u32 s28, v2;
	v21 =	vor.u32 v21, v22;
	v26 =	vld.idx.msk [tilespmem:v26+s1+$0x0], $0xffff;
	[tilespmem:s17+$0x10600] =	vst v25  }
0xa6: {  	v28 =	vand.u32 $0x1F, v62;
	v63 =	vor.u32 v14, v61;
	v36 =	vld.idx.msk [tilespmem:v30+s1+$0x0], $0xffff  }
0xa7: {  	v33 =	vadd.s32 s26, v3;
	v28 =	vor.u32 v28, v22;
	[tilespmem:s17+$0x10400] =	vst v17;
	v17 =	vld.idx.msk [tilespmem:v58+s1+$0x0], $0xffff  }
0xa8: {  	v24 =	vand.u32 $0x1F, v33;
	v37 =	vor.u32 v12, v61;
	[tilespmem:s17+$0x10480] =	vst v19;
	v19 =	vadd.s32 s23, v3;
	v18 =	vld.idx.msk [tilespmem:v18+s1+$0x0], $0xffff  }
0xa9: {  	v20 =	vor.u32 v24, v22;
	v19 =	vand.u32 $0x1F, v19;
	v15 =	vld.idx.msk [tilespmem:v15+s1+$0x0], $0xffff;
	[tilespmem:s17+$0x10790] =	vst v16  }
0xaa: {  	s29 =	sor.u32 $0x600, s25;
	v19 =	vor.u32 v19, v22;
	v21 =	vld.idx.msk [tilespmem:v21+s1+$0x0], $0xffff;
	v16 =	vor.u32 v61, v7;
	[tilespmem:s17+$0x10580] =	vst v23;
	v23 =	vadd.s32 s20, v4  }
0xab: {  	v34 =	vor.u32 s29, v2;
	v22 =	vld.idx.msk [tilespmem:v63+s1+$0x0], $0xffff;
	v16 =	vor.u32 v1, v16;
	v23 =	vand.u32 $0x1F, v23;
	[tilespmem:s17+$0x10610] =	vst v36  }
0xac: {  	v35 =	vld.idx.msk [tilespmem:v28+s1+$0x0], $0xffff;
	[tilespmem:s17+$0x10680] =	vst v17;
	v17 =	vor.u32 v23, v34  }
0xad: {  	v23 =	vor.u32 v10, v61;
	[tilespmem:s17+$0x10700] =	vst v18;
	v29 =	vld.idx.msk [tilespmem:v37+s1+$0x0], $0xffff  }
0xae: {  	v18 =	vor.u32 v8, v61;
	[tilespmem:s17+$0x10410] =	vst v15;
	v15 =	vld.idx.msk [tilespmem:v20+s1+$0x0], $0xffff  }
0xaf: {  	v20 =	vor.u32 v9, v61;
	v19 =	vld.idx.msk [tilespmem:v19+s1+$0x0], $0xffff;
	[tilespmem:s17+$0x10490] =	vst v21  }
0xb0: {  	s29 =	sor.u32 $0x800, s25;
	v27 =	vor.u32 v11, v61;
	v21 =	vadd.s32 s18, v4;
	v16 =	vld.idx.msk [tilespmem:v16+s1+$0x0], $0xffff;
	[tilespmem:s17+$0x107A0] =	vst v22  }
0xb1: {  	v39 =	vor.u32 s29, v2;
	[tilespmem:s17+$0x10510] =	vst v26;
	v21 =	vand.u32 $0x18, v21;
	v22 =	vor.u32 v13, v61;
	v17 =	vld.idx.msk [tilespmem:v17+s1+$0x0], $0xffff  }
0xb2: {  	v38 =	vadd.s32 s22, v4;
	v41 =	vor.u32 v14, v39;
	[tilespmem:s17+$0x10590] =	vst v35;
	v23 =	vld.idx.msk [tilespmem:v23+s1+$0x0], $0xffff;
	v21 =	vor.u32 v34, v21  }
0xb3: {  	v40 =	vadd.s32 s19, v4;
	v26 =	vand.u32 $0x1F, v38;
	v18 =	vld.idx.msk [tilespmem:v18+s1+$0x0], $0xffff;
	v21 =	vor.u32 v1, v21;
	[tilespmem:s17+$0x10690] =	vst v15  }
0xb4: {  	v31 =	vadd.s32 s21, v4;
	v25 =	vand.u32 $0x1F, v40;
	v26 =	vor.u32 v26, v34;
	v20 =	vld.idx.msk [tilespmem:v20+s1+$0x0], $0xffff;
	[tilespmem:s17+$0x10710] =	vst v19  }
0xb5: {  	v31 =	vand.u32 $0x1F, v31;
	v25 =	vor.u32 v25, v34;
	v15 =	vadd.s32 s24, v4;
	v27 =	vld.idx.msk [tilespmem:v27+s1+$0x0], $0xffff;
	[tilespmem:s17+$0x10420] =	vst v16  }
0xb6: {  	v31 =	vor.u32 v31, v34;
	v19 =	vadd.s32 s26, v4;
	v15 =	vand.u32 $0x1F, v15;
	v16 =	vld.idx.msk [tilespmem:v22+s1+$0x0], $0xffff;
	[tilespmem:s17+$0x107B0] =	vst v17  }
0xb7: {  	v15 =	vor.u32 v15, v34;
	v22 =	vadd.s32 s23, v4;
	v17 =	vand.u32 $0x1F, v19;
	[tilespmem:s17+$0x104A0] =	vst v23;
	v19 =	vld.idx.msk [tilespmem:v41+s1+$0x0], $0xffff  }
0xb8: {  	s29 =	sor.u32 $0xA00, s25;
	v23 =	vadd.s32 s20, v5;
	[tilespmem:s17+$0x10520] =	vst v18;
	v22 =	vand.u32 $0x1F, v22;
	v17 =	vor.u32 v17, v34;
	v21 =	vld.idx.msk [tilespmem:v21+s1+$0x0], $0xffff  }
0xb9: {  	v42 =	vor.u32 s29, v2;
	v18 =	vand.u32 $0x1F, v23;
	v23 =	vld.idx.msk [tilespmem:v26+s1+$0x0], $0xffff;
	[tilespmem:s17+$0x105A0] =	vst v20;
	v20 =	vor.u32 v22, v34  }
0xba: {  	[tilespmem:s17+$0x10620] =	vst v29;
	v22 =	vor.u32 v39, v7;
	v43 =	vld.idx.msk [tilespmem:v25+s1+$0x0], $0xffff;
	v18 =	vor.u32 v18, v42  }
0xbb: {  	v22 =	vor.u32 v1, v22;
	v44 =	vld.idx.msk [tilespmem:v31+s1+$0x0], $0xffff;
	[tilespmem:s17+$0x10720] =	vst v27  }
0xbc: {  	v46 =	vor.u32 v8, v39;
	v15 =	vld.idx.msk [tilespmem:v15+s1+$0x0], $0xffff;
	[tilespmem:s17+$0x106A0] =	vst v16  }
0xbd: {  	v47 =	vor.u32 v9, v39;
	v17 =	vld.idx.msk [tilespmem:v17+s1+$0x0], $0xffff;
	[tilespmem:s17+$0x107C0] =	vst v19  }
0xbe: {  	v45 =	vadd.s32 s18, v5;
	v54 =	vadd.s32 s18, v6;
	s29 =	sor.u32 $0xC00, s25;
	v16 =	vor.u32 v10, v39;
	[tilespmem:s17+$0x10430] =	vst v21;
	v20 =	vld.idx.msk [tilespmem:v20+s1+$0x0], $0xffff  }
0xbf: {  	v32 =	vadd.s32 s21, v5;
	v49 =	vor.u32 s29, v2;
	v48 =	vor.u32 v12, v39;
	[tilespmem:s17+$0x104B0] =	vst v23;
	v18 =	vld.idx.msk [tilespmem:v18+s1+$0x0], $0xffff  }
0xc0: {  	v14 =	vor.u32 v14, v49;
	v34 =	vor.u32 v13, v39;
	v19 =	vand.u32 $0x18, v45;
	[tilespmem:s17+$0x10530] =	vst v43;
	v22 =	vld.idx.msk [tilespmem:v22+s1+$0x0], $0xffff  }
0xc1: {  	v21 =	vadd.s32 s22, v5;
	v23 =	vadd.s32 s19, v5;
	[tilespmem:s17+$0x105B0] =	vst v44;
	v19 =	vor.u32 v42, v19;
	v27 =	vld.idx.msk [tilespmem:v46+s1+$0x0], $0xffff  }
0xc2: {  	[tilespmem:s17+$0x10630] =	vst v15;
	v15 =	vand.u32 $0x1F, v21;
	v21 =	vand.u32 $0x1F, v23;
	v19 =	vor.u32 v1, v19;
	v23 =	vld.idx.msk [tilespmem:v47+s1+$0x0], $0xffff  }
0xc3: {  	v50 =	vadd.s32 s24, v5;
	v51 =	vadd.s32 s23, v5;
	v30 =	vor.u32 v11, v39;
	v16 =	vld.idx.msk [tilespmem:v16+s1+$0x0], $0xffff;
	[tilespmem:s17+$0x106B0] =	vst v17  }
0xc4: {  	v55 =	vand.u32 $0x18, v54;
	v33 =	vadd.s32 s26, v5;
	v52 =	vld.idx.msk [tilespmem:v48+s1+$0x0], $0xffff;
	v21 =	vor.u32 v21, v42;
	[tilespmem:s17+$0x107D0] =	vst v18  }
0xc5: {  	v62 =	vadd.s32 s26, v6;
	v24 =	vand.u32 $0x1F, v50;
	v15 =	vor.u32 v15, v42;
	[tilespmem:s17+$0x10440] =	vst v22;
	v22 =	vld.idx.msk [tilespmem:v34+s1+$0x0], $0xffff  }
0xc6: {  	s25 =	sor.u32 $0xE00, s25;
	v24 =	vor.u32 v24, v42;
	v17 =	vand.u32 $0x1F, v32;
	[tilespmem:s17+$0x10730] =	vst v20;
	v20 =	vadd.s32 s20, v6;
	v14 =	vld.idx.msk [tilespmem:v14+s1+$0x0], $0xffff  }
0xc7: {  	v53 =	vor.u32 s25, v2;
	v17 =	vor.u32 v17, v42;
	v20 =	vand.u32 $0x1F, v20;
	[tilespmem:s17+$0x10540] =	vst v27;
	v19 =	vld.idx.msk [tilespmem:v19+s1+$0x0], $0xffff  }
0xc8: {  	v12 =	vor.u32 v12, v49;
	v18 =	vand.u32 $0x1F, v33;
	v20 =	vor.u32 v20, v53;
	[tilespmem:s17+$0x104C0] =	vst v16;
	v16 =	vld.idx.msk [tilespmem:v30+s1+$0x0], $0xffff  }
0xc9: {  	v57 =	vadd.s32 s19, v6;
	v7 =	vor.u32 v49, v7;
	v18 =	vor.u32 v18, v42;
	[tilespmem:s17+$0x105C0] =	vst v23;
	v60 =	vld.idx.msk [tilespmem:v21+s1+$0x0], $0xffff  }
0xca: {  	v56 =	vadd.s32 s22, v6;
	v25 =	vand.u32 $0x1F, v51;
	v35 =	vor.u32 v1, v7;
	[tilespmem:s17+$0x10640] =	vst v52;
	v15 =	vld.idx.msk [tilespmem:v15+s1+$0x0], $0xffff  }
0xcb: {  	v59 =	vand.u32 $0x1F, v56;
	v63 =	vor.u32 v10, v49;
	v25 =	vor.u32 v25, v42;
	v21 =	vld.idx.msk [tilespmem:v24+s1+$0x0], $0xffff;
	[tilespmem:s17+$0x106C0] =	vst v22  }
0xcc: {  	v58 =	vadd.s32 s21, v6;
	v37 =	vor.u32 v8, v49;
	v8 =	vor.u32 v11, v49;
	v36 =	vld.idx.msk [tilespmem:v17+s1+$0x0], $0xffff;
	[tilespmem:s17+$0x107E0] =	vst v14  }
0xcd: {  	v11 =	vor.u32 v59, v53;
	v61 =	vadd.s32 s24, v6;
	v7 =	vor.u32 v13, v49;
	[tilespmem:s17+$0x10450] =	vst v19;
	v38 =	vld.idx.msk [tilespmem:v20+s1+$0x0], $0xffff  }
0xce: {  	v39 =	vadd.s32 s23, v6;
	v10 =	vor.u32 v53, v55;
	v14 =	vor.u32 v9, v49;
	v23 =	vld.idx.msk [tilespmem:v18+s1+$0x0], $0xffff;
	[tilespmem:s17+$0x10740] =	vst v16  }
0xcf: {  	v13 =	vor.u32 v1, v10;
	v17 =	vand.u32 $0x1F, v57;
	v9 =	vand.u32 $0x1F, v58;
	v20 =	vld.idx.msk [tilespmem:v35+s1+$0x0], $0xffff;
	[tilespmem:s17+$0x10550] =	vst v60  }
0xd0: {  	v10 =	vor.u32 v17, v53;
	v18 =	vand.u32 $0x1F, v39;
	v16 =	vand.u32 $0x1F, v61;
	[tilespmem:s17+$0x104D0] =	vst v15;
	v22 =	vld.idx.msk [tilespmem:v25+s1+$0x0], $0xffff  }
0xd1: {  	v9 =	vor.u32 v9, v53;
	v15 =	vand.u32 $0x1F, v62;
	v17 =	vor.u32 v16, v53;
	v19 =	vld.idx.msk [tilespmem:v63+s1+$0x0], $0xffff;
	[tilespmem:s17+$0x105D0] =	vst v36  }
0xd2: {  	v16 =	vor.u32 v15, v53;
	v15 =	vor.u32 v18, v53;
	v18 =	vld.idx.msk [tilespmem:v37+s1+$0x0], $0xffff;
	[tilespmem:s17+$0x107F0] =	vst v38  }
.LBB2_7:
0xd3: {  	s15 =	sadd.s32 $0x8, s15;
	v14 =	vld.idx.msk [tilespmem:v14+s1+$0x0], $0xffff;
	[tilespmem:s17+$0x10650] =	vst v21  }
0xd4: {  	s24 =	sand.u32 $0x18, s15;
	p0 =	slt.u32 s15, $0xF8;
	v21 =	vld.idx.msk [tilespmem:v12+s1+$0x0], $0xffff;
	[tilespmem:s17+$0x106D0] =	vst v23  }
0xd5: {  	s28 =	sshrl.u32 s15, $0x5;
	v12 =	vadd.s32 s24, v0;
	v23 =	vadd.s32 s24, v3;
	v24 =	vadd.s32 s24, v4;
	s21 =	sor.u32 $0x1, s24;
	s18 =	sor.u32 $0x7, s24;
	v25 =	vld.idx.msk [tilespmem:v7+s1+$0x0], $0xffff;
	[tilespmem:s17+$0x10750] =	vst v22  }
0xd6: {  	s19 =	sshll.u32 s28, $0xC;
	s25 =	sor.u32 $0x2, s24;
	s26 =	sor.u32 $0x3, s24;
	v7 =	vand.u32 $0x18, v12;
	v12 =	vadd.s32 s21, v0;
	v22 =	vadd.s32 s18, v0;
	[tilespmem:s17+$0x10460] =	vst v20;
	v20 =	vld.idx.msk [tilespmem:v8+s1+$0x0], $0xffff  }
0xd7: {  	s22 =	sor.u32 $0x4, s24;
	s23 =	sor.u32 $0x5, s24;
	s20 =	sor.u32 $0x6, s24;
	v26 =	vor.u32 s19, v2;
	v27 =	vadd.s32 s25, v0;
	v8 =	vand.u32 $0x1F, v22;
	v22 =	vld.idx.msk [tilespmem:v13+s1+$0x0], $0xffff;
	[tilespmem:s17+$0x104E0] =	vst v19  }
0xd8: {  	v13 =	vadd.s32 s26, v0;
	v19 =	vadd.s32 s22, v0;
	v28 =	vor.u32 v26, v8;
	v29 =	vld.idx.msk [tilespmem:v11+s1+$0x0], $0xffff;
	[tilespmem:s17+$0x10560] =	vst v18  }
0xd9: {  	v30 =	vadd.s32 s23, v0;
	v31 =	vadd.s32 s20, v0;
	v18 =	vor.u32 v26, v7;
	v32 =	vld.idx.msk [tilespmem:v10+s1+$0x0], $0xffff;
	[tilespmem:s17+$0x105E0] =	vst v14  }
0xda: {  	v13 =	vand.u32 $0x1F, v13;
	v14 =	vand.u32 $0x1F, v12;
	v12 =	vand.u32 $0x1F, v27;
	v27 =	vld.idx.msk [tilespmem:v9+s1+$0x0], $0xffff;
	[tilespmem:s17+$0x10660] =	vst v21  }
0xdb: {  	v11 =	vand.u32 $0x1F, v19;
	v10 =	vand.u32 $0x1F, v30;
	v9 =	vand.u32 $0x1F, v31;
	v17 =	vld.idx.msk [tilespmem:v17+s1+$0x0], $0xffff;
	[tilespmem:s17+$0x106E0] =	vst v25  }
0xdc: {  	v18 =	vor.u32 v1, v18;
	v19 =	vor.u32 v26, v14;
	v21 =	vor.u32 v26, v12;
	[tilespmem:s17+$0x10760] =	vst v20  }
0xdd: {  	s29 =	sor.u32 $0x200, s19;
	v30 =	vadd.s32 s18, v3;
	v25 =	vor.u32 v26, v11;
	v20 =	vor.u32 v26, v13;
	v28 =	vld.idx.msk [tilespmem:v28+s1+$0x0], $0xffff;
	[tilespmem:s17+$0x10470] =	vst v22  }
0xde: {  	v31 =	vor.u32 v26, v10;
	v30 =	vand.u32 $0x1F, v30;
	v22 =	vor.u32 s29, v2;
	[tilespmem:s17+$0x104F0] =	vst v29;
	v16 =	vld.idx.msk [tilespmem:v16+s1+$0x0], $0xffff  }
0xdf: {  	v23 =	vand.u32 $0x18, v23;
	v26 =	vor.u32 v26, v9;
	v29 =	vor.u32 v30, v22;
	[tilespmem:s17+$0x10570] =	vst v32;
	v15 =	vld.idx.msk [tilespmem:v15+s1+$0x0], $0xffff  }
0xe0: {  	s28 =	sadd.s32 s28, s24;
	v33 =	vadd.s32 s26, v3;
	v30 =	vadd.s32 s21, v3;
	v32 =	vadd.s32 s25, v3;
	[tilespmem:s17+$0x105F0] =	vst v27  }
0xe1: {  	s28 =	sshll.u32 s28, $0xA;
	v34 =	vadd.s32 s23, v3;
	v35 =	vadd.s32 s20, v3;
	v27 =	vadd.s32 s22, v3;
	v18 =	vld.idx.msk [tilespmem:v18+s1+$0x0], $0xffff  }
0xe2: {  	s28 =	sand.u32 $0x3FFFFC00, s28;
	v23 =	vor.u32 v22, v23;
	v30 =	vand.u32 $0x1F, v30;
	v32 =	vand.u32 $0x1F, v32;
	v19 =	vld.idx.msk [tilespmem:v19+s1+$0x0], $0xffff;
	[tilespmem:s17+$0x10670] =	vst v17  }
0xe3: {  	v27 =	vand.u32 $0x1F, v27;
	v17 =	vld.idx.msk [tilespmem:v21+s1+$0x0], $0xffff;
	v21 =	vand.u32 $0x1F, v33;
	v33 =	vand.u32 $0x1F, v34;
	[tilespmem:s28+$0x10780] =	vst v28  }
0xe4: {  	s29 =	sor.u32 $0x400, s19;
	v23 =	vor.u32 v1, v23;
	v28 =	vor.u32 v30, v22;
	v30 =	vand.u32 $0x1F, v35;
	v29 =	vld.idx.msk [tilespmem:v29+s1+$0x0], $0xffff;
	[tilespmem:s17+$0x106F0] =	vst v16  }
0xe5: {  	v32 =	vor.u32 v32, v22;
	v16 =	vor.u32 s29, v2;
	v21 =	vor.u32 v21, v22;
	v20 =	vld.idx.msk [tilespmem:v20+s1+$0x0], $0xffff;
	[tilespmem:s17+$0x10770] =	vst v15;
	s17 =	smov.u32 s28  }
0xe6: {  	v15 =	vld.idx.msk [tilespmem:v25+s1+$0x0], $0xffff;
	v25 =	vor.u32 v27, v22;
	v27 =	vor.u32 v33, v22;
	v33 =	vor.u32 v8, v16  }
0xe7: {  	v24 =	vand.u32 $0x18, v24;
	v22 =	vor.u32 v30, v22;
	[tilespmem:s17+$0x10400] =	vst v18;
	v18 =	vor.u32 v16, v7;
	v31 =	vld.idx.msk [tilespmem:v31+s1+$0x0], $0xffff  }
0xe8: {  	v30 =	vadd.s32 s21, v4;
	v18 =	vor.u32 v1, v18;
	[tilespmem:s17+$0x10480] =	vst v19;
	v19 =	vor.u32 v14, v16;
	v26 =	vld.idx.msk [tilespmem:v26+s1+$0x0], $0xffff  }
0xe9: {  	v34 =	vadd.s32 s25, v4;
	v35 =	vor.u32 v13, v16;
	v23 =	vld.idx.msk [tilespmem:v23+s1+$0x0], $0xffff;
	[tilespmem:s17+$0x10500] =	vst v17;
	v17 =	vor.u32 v12, v16  }
0xea: {  	v36 =	vadd.s32 s26, v4;
	v37 =	vor.u32 v11, v16;
	v38 =	vor.u32 v10, v16;
	v28 =	vld.idx.msk [tilespmem:v28+s1+$0x0], $0xffff;
	[tilespmem:s17+$0x10790] =	vst v29  }
0xeb: {  	s28 =	sor.u32 $0x600, s19;
	v16 =	vor.u32 v9, v16;
	[tilespmem:s17+$0x10580] =	vst v20;
	v20 =	vadd.s32 s22, v4;
	v29 =	vld.idx.msk [tilespmem:v33+s1+$0x0], $0xffff;
	v33 =	vadd.s32 s18, v4  }
0xec: {  	v39 =	vor.u32 s28, v2;
	v32 =	vld.idx.msk [tilespmem:v32+s1+$0x0], $0xffff;
	[tilespmem:s17+$0x10600] =	vst v15;
	v15 =	vadd.s32 s23, v4;
	v33 =	vand.u32 $0x1F, v33  }
0xed: {  	v24 =	vor.u32 v39, v24;
	v21 =	vld.idx.msk [tilespmem:v21+s1+$0x0], $0xffff;
	[tilespmem:s17+$0x10680] =	vst v31;
	v31 =	vadd.s32 s20, v4;
	v33 =	vor.u32 v33, v39  }
0xee: {  	v36 =	vand.u32 $0x1F, v36;
	v34 =	vand.u32 $0x1F, v34;
	v30 =	vand.u32 $0x1F, v30;
	v25 =	vld.idx.msk [tilespmem:v25+s1+$0x0], $0xffff;
	[tilespmem:s17+$0x10700] =	vst v26  }
0xef: {  	v20 =	vand.u32 $0x1F, v20;
	v15 =	vand.u32 $0x1F, v15;
	v26 =	vand.u32 $0x1F, v31;
	[tilespmem:s17+$0x10410] =	vst v23;
	v23 =	vld.idx.msk [tilespmem:v27+s1+$0x0], $0xffff  }
0xf0: {  	v24 =	vor.u32 v1, v24;
	v27 =	vadd.s32 s24, v5;
	[tilespmem:s17+$0x10490] =	vst v28;
	v28 =	vor.u32 v30, v39;
	v22 =	vld.idx.msk [tilespmem:v22+s1+$0x0], $0xffff  }
0xf1: {  	v31 =	vor.u32 v36, v39;
	v27 =	vand.u32 $0x18, v27;
	v30 =	vor.u32 v34, v39;
	v18 =	vld.idx.msk [tilespmem:v18+s1+$0x0], $0xffff;
	[tilespmem:s17+$0x107A0] =	vst v29  }
0xf2: {  	s28 =	sor.u32 $0x800, s19;
	v20 =	vor.u32 v20, v39;
	v15 =	vor.u32 v15, v39;
	v29 =	vadd.s32 s21, v5;
	[tilespmem:s17+$0x10510] =	vst v32;
	v32 =	vld.idx.msk [tilespmem:v33+s1+$0x0], $0xffff  }
0xf3: {  	v34 =	vadd.s32 s25, v5;
	v33 =	vor.u32 s28, v2;
	v19 =	vld.idx.msk [tilespmem:v19+s1+$0x0], $0xffff;
	[tilespmem:s17+$0x10590] =	vst v21;
	v21 =	vor.u32 v26, v39  }
0xf4: {  	v36 =	vadd.s32 s26, v5;
	v26 =	vor.u32 v33, v7;
	v17 =	vld.idx.msk [tilespmem:v17+s1+$0x0], $0xffff;
	[tilespmem:s17+$0x10610] =	vst v25;
	v25 =	vor.u32 v8, v33  }
0xf5: {  	v40 =	vadd.s32 s22, v5;
	v39 =	vor.u32 v14, v33;
	v26 =	vor.u32 v1, v26;
	v35 =	vld.idx.msk [tilespmem:v35+s1+$0x0], $0xffff;
	[tilespmem:s17+$0x10690] =	vst v23  }
0xf6: {  	v42 =	vadd.s32 s23, v5;
	v41 =	vor.u32 v13, v33;
	v23 =	vor.u32 v12, v33;
	v37 =	vld.idx.msk [tilespmem:v37+s1+$0x0], $0xffff;
	[tilespmem:s17+$0x10710] =	vst v22  }
0xf7: {  	v43 =	vadd.s32 s20, v5;
	[tilespmem:s17+$0x10420] =	vst v18;
	v18 =	vor.u32 v11, v33;
	v22 =	vld.idx.msk [tilespmem:v38+s1+$0x0], $0xffff;
	v38 =	vor.u32 v10, v33  }
0xf8: {  	v34 =	vand.u32 $0x1F, v34;
	v29 =	vand.u32 $0x1F, v29;
	v33 =	vor.u32 v9, v33;
	v16 =	vld.idx.msk [tilespmem:v16+s1+$0x0], $0xffff;
	[tilespmem:s17+$0x107B0] =	vst v32  }
0xf9: {  	s28 =	sor.u32 $0xA00, s19;
	v32 =	vand.u32 $0x1F, v40;
	[tilespmem:s17+$0x104A0] =	vst v19;
	v19 =	vand.u32 $0x1F, v36;
	v25 =	vld.idx.msk [tilespmem:v25+s1+$0x0], $0xffff;
	v36 =	vadd.s32 s18, v5  }
0xfa: {  	v40 =	vor.u32 s28, v2;
	v24 =	vld.idx.msk [tilespmem:v24+s1+$0x0], $0xffff;
	[tilespmem:s17+$0x10520] =	vst v17;
	v17 =	vand.u32 $0x1F, v42;
	v36 =	vand.u32 $0x1F, v36  }
0xfb: {  	v27 =	vor.u32 v40, v27;
	v28 =	vld.idx.msk [tilespmem:v28+s1+$0x0], $0xffff;
	[tilespmem:s17+$0x105A0] =	vst v35;
	v35 =	vand.u32 $0x1F, v43;
	v36 =	vor.u32 v36, v40  }
0xfc: {  	v29 =	vor.u32 v29, v40;
	v27 =	vor.u32 v1, v27;
	v42 =	vadd.s32 s24, v6;
	v30 =	vld.idx.msk [tilespmem:v30+s1+$0x0], $0xffff;
	[tilespmem:s17+$0x10620] =	vst v37  }
0xfd: {  	v34 =	vor.u32 v34, v40;
	v19 =	vor.u32 v19, v40;
	v37 =	vand.u32 $0x18, v42;
	v31 =	vld.idx.msk [tilespmem:v31+s1+$0x0], $0xffff;
	[tilespmem:s17+$0x106A0] =	vst v22  }
0xfe: {  	v32 =	vor.u32 v32, v40;
	v42 =	vor.u32 v17, v40;
	v22 =	vadd.s32 s21, v6;
	v20 =	vld.idx.msk [tilespmem:v20+s1+$0x0], $0xffff;
	[tilespmem:s17+$0x10720] =	vst v16  }
0xff: {  	v17 =	vadd.s32 s26, v6;
	v35 =	vor.u32 v35, v40;
	v16 =	vadd.s32 s25, v6;
	v15 =	vld.idx.msk [tilespmem:v15+s1+$0x0], $0xffff;
	[tilespmem:s17+$0x107C0] =	vst v25  }
0x100: {  	s21 =	sor.u32 $0xC00, s19;
	v22 =	vand.u32 $0x1F, v22;
	v25 =	vadd.s32 s23, v6;
	[tilespmem:s17+$0x10430] =	vst v24;
	v24 =	vadd.s32 s22, v6;
	v36 =	vld.idx.msk [tilespmem:v36+s1+$0x0], $0xffff  }
0x101: {  	v40 =	vor.u32 s21, v2;
	v16 =	vand.u32 $0x1F, v16;
	[tilespmem:s17+$0x104B0] =	vst v28;
	v21 =	vld.idx.msk [tilespmem:v21+s1+$0x0], $0xffff;
	v28 =	vadd.s32 s20, v6  }
0x102: {  	v17 =	vand.u32 $0x1F, v17;
	v7 =	vor.u32 v40, v7;
	v26 =	vld.idx.msk [tilespmem:v26+s1+$0x0], $0xffff;
	[tilespmem:s17+$0x10530] =	vst v30;
	v30 =	vor.u32 v8, v40  }
0x103: {  	v44 =	vor.u32 v14, v40;
	v43 =	vor.u32 v1, v7;
	v24 =	vand.u32 $0x1F, v24;
	v39 =	vld.idx.msk [tilespmem:v39+s1+$0x0], $0xffff;
	[tilespmem:s17+$0x105B0] =	vst v31  }
0x104: {  	v14 =	vor.u32 v13, v40;
	v31 =	vor.u32 v12, v40;
	v23 =	vld.idx.msk [tilespmem:v23+s1+$0x0], $0xffff;
	[tilespmem:s17+$0x10630] =	vst v20;
	v20 =	vand.u32 $0x1F, v25  }
0x105: {  	v7 =	vor.u32 v10, v40;
	v12 =	vor.u32 v11, v40;
	v25 =	vld.idx.msk [tilespmem:v41+s1+$0x0], $0xffff;
	[tilespmem:s17+$0x106B0] =	vst v15;
	v15 =	vand.u32 $0x1F, v28  }
0x106: {  	v8 =	vor.u32 v9, v40;
	v18 =	vld.idx.msk [tilespmem:v18+s1+$0x0], $0xffff;
	[tilespmem:s17+$0x107D0] =	vst v36  }
0x107: {  	s19 =	sor.u32 $0xE00, s19;
	v9 =	vadd.s32 s18, v6;
	[tilespmem:s17+$0x10730] =	vst v21;
	v21 =	vld.idx.msk [tilespmem:v30+s1+$0x0], $0xffff  }
0x108: {  	v9 =	vand.u32 $0x1F, v9;
	[tilespmem:s17+$0x10440] =	vst v26;
	v26 =	vor.u32 s19, v2;
	v28 =	vld.idx.msk [tilespmem:v38+s1+$0x0], $0xffff  }
0x109: {  	v10 =	vor.u32 v26, v37;
	[tilespmem:s17+$0x104C0] =	vst v39;
	v30 =	vld.idx.msk [tilespmem:v33+s1+$0x0], $0xffff;
	v33 =	vor.u32 v9, v26  }
0x10a: {  	v11 =	vor.u32 v22, v26;
	v27 =	vld.idx.msk [tilespmem:v27+s1+$0x0], $0xffff;
	v13 =	vor.u32 v1, v10;
	[tilespmem:s17+$0x10540] =	vst v23  }
0x10b: {  	v9 =	vor.u32 v17, v26;
	v10 =	vor.u32 v16, v26;
	v22 =	vld.idx.msk [tilespmem:v29+s1+$0x0], $0xffff;
	[tilespmem:s17+$0x105C0] =	vst v25  }
0x10c: {  	v17 =	vor.u32 v24, v26;
	v16 =	vor.u32 v20, v26;
	v25 =	vld.idx.msk [tilespmem:v34+s1+$0x0], $0xffff;
	[tilespmem:s17+$0x10640] =	vst v18  }
0x10d: {  	v15 =	vor.u32 v15, v26;
	v18 =	vld.idx.msk [tilespmem:v19+s1+$0x0], $0xffff;
	[tilespmem:s17+$0x107E0] =	vst v21  }
0x10e: {  	[tilespmem:s17+$0x106C0] =	vst v28;
	v24 =	vld.idx.msk [tilespmem:v33+s1+$0x0], $0xffff  }
0x10f: {  	v21 =	vld.idx.msk [tilespmem:v32+s1+$0x0], $0xffff;
	[tilespmem:s17+$0x10740] =	vst v30  }
.Ltmp2:
0x110: {  	[tilespmem:s17+$0x10450] =	vst v27;
	v23 =	vld.idx.msk [tilespmem:v42+s1+$0x0], $0xffff;
	(pc) =	sbr.rel @p0 .LBB2_7-.Ltmp2, $4  }
0x111: {  	[tilespmem:s17+$0x104D0] =	vst v22;
	v22 =	vld.idx.msk [tilespmem:v35+s1+$0x0], $0xffff  }
0x112: {  	v20 =	vld.idx.msk [tilespmem:v43+s1+$0x0], $0xffff;
	[tilespmem:s17+$0x10550] =	vst v25  }
0x113: {  	v19 =	vld.idx.msk [tilespmem:v44+s1+$0x0], $0xffff;
	[tilespmem:s17+$0x105D0] =	vst v18  }
0x114: {  	v18 =	vld.idx.msk [tilespmem:v31+s1+$0x0], $0xffff;
	[tilespmem:s17+$0x107F0] =	vst v24  }
0x115: {  	_ =	sdelay $0x2  }
0x116: {  	[tilespmem:s17+$0x10650] =	vst v21  }
0x117: {  	v14 =	vld.idx.msk [tilespmem:v14+s1+$0x0], $0xffff;
	[tilespmem:s17+$0x106D0] =	vst v23  }
0x118: {  	v12 =	vld.idx.msk [tilespmem:v12+s1+$0x0], $0xffff;
	[tilespmem:s17+$0x10750] =	vst v22  }
0x119: {  	v7 =	vld.idx.msk [tilespmem:v7+s1+$0x0], $0xffff;
	[tilespmem:s17+$0x10460] =	vst v20  }
0x11a: {  	v8 =	vld.idx.msk [tilespmem:v8+s1+$0x0], $0xffff;
	[tilespmem:s17+$0x104E0] =	vst v19  }
0x11b: {  	v13 =	vld.idx.msk [tilespmem:v13+s1+$0x0], $0xffff;
	[tilespmem:s17+$0x10560] =	vst v18  }
0x11c: {  	v11 =	vld.idx.msk [tilespmem:v11+s1+$0x0], $0xffff;
	[tilespmem:s17+$0x105E0] =	vst v14  }
0x11d: {  	v10 =	vld.idx.msk [tilespmem:v10+s1+$0x0], $0xffff;
	[tilespmem:s17+$0x10660] =	vst v12  }
0x11e: {  	v9 =	vld.idx.msk [tilespmem:v9+s1+$0x0], $0xffff;
	[tilespmem:s17+$0x106E0] =	vst v7  }
0x11f: {  	v7 =	vld.idx.msk [tilespmem:v17+s1+$0x0], $0xffff;
	[tilespmem:s17+$0x10760] =	vst v8  }
0x120: {  	v8 =	vld.idx.msk [tilespmem:v16+s1+$0x0], $0xffff;
	[tilespmem:s17+$0x10470] =	vst v13  }
0x121: {  	v63 =	vld.idx.msk [tilespmem:v15+s1+$0x0], $0xffff;
	[tilespmem:s17+$0x104F0] =	vst v11  }
0x122: {  	[tilespmem:s17+$0x10570] =	vst v10  }
0x123: {  	[tilespmem:s17+$0x105F0] =	vst v9  }
0x124: {  	s15 =	sshll.u32 s2, $0x11;
	[tilespmem:s17+$0x10670] =	vst v7  }
0x125: {  	s26 =	rddreg [dreg:$0x1];
	s15 =	sor.u32 s7, s15;
	[tilespmem:s17+$0x106F0] =	vst v8  }
0x126: {  	[tilespmem:s17+$0x10770] =	vst v63;
	s17 =	sadd.s32 s26, s15  }
0x127: {  	[hbm4b:s17+s16] =	stream.strided.scatter [tilespmem:s12], [sflag:$0x2], $0x2000, s0, s16, $0x38;
	[tilespmem:$0x19D00] =	vst v63  }
0x128: {  	_ =	swait.ge [sflag:s13], $0x2000  }
0x129: {  	[sflag:s13] =	ssyncset.done $0x0  }
0x12a: {  	s28 =	sadd.s32 s15, s8;
	[sflag:s13] =	ssyncadd.s32 $0xFFFFE000  }
0x12b: {  	[hbm4b:s28+s16] =	stream.strided.scatter [tilespmem:s3], [sflag:$0x2], $0x2000, s0, s16, $0x38;
	[tilespmem:$0x19D00] =	vst v63  }
0x12c: {  	_ =	swait.ge [sflag:s13], $0x2000  }
0x12d: {  	[sflag:s13] =	ssyncset.done $0x0  }
0x12e: {  	s29 =	sadd.s32 s15, s9;
	[sflag:s13] =	ssyncadd.s32 $0xFFFFE000  }
0x12f: {  	[hbm4b:s29+s16] =	stream.strided.scatter [tilespmem:s5], [sflag:$0x2], $0x2000, s0, s16, $0x38;
	[tilespmem:$0x19D00] =	vst v63  }
0x130: {  	s2 =	sadd.s32 $0x1, s2;
	_ =	swait.ge [sflag:s13], $0x2000  }
0x131: {  	p0 =	sne.s32 s2, $0x19;
	[sflag:s13] =	ssyncset.done $0x0  }
.Ltmp3:
0x132: {  	s15 =	sadd.s32 s15, s10;
	[sflag:s13] =	ssyncadd.s32 $0xFFFFE000;
	(pc) =	sbr.rel @p0 .LBB2_2-.Ltmp3, $4  }
0x133: {  	[hbm4b:s15+s16] =	stream.strided.scatter [tilespmem:s11], [sflag:$0x2], $0x2000, s0, s16, $0x38;
	[tilespmem:$0x19D00] =	vst v63  }
0x134: {  	_ =	swait.ge [sflag:s13], $0x2000  }
0x135: {  	[sflag:s13] =	ssyncset.done $0x0  }
0x136: {  	[sflag:s13] =	ssyncadd.s32 $0xFFFFE000  }
0x137: {  	s15 =	rddreg [dreg:$0x5]  }
0x138: {  	s2 =	rddreg [dreg:$0x4];
	s15 =	sadd.s32 $0x1, s15  }
0x139: {  	p0 =	sne.s32 s15, s2  }
.Ltmp4:
0x13a: {  	_ = 	snop;
	(pc) =	sbr.rel @p0 .LBB2_1-.Ltmp4, $1  }
0x13b: {  	_ =	sdelay $0x3  }
0x13c: {  	_ =	sfence.sel $0x180000  }
0x13d: {  	[bflag:$0x0] =	sbarrier.arrive $0xFFFF  }
0x13e: {  	_ =	strace $0x90000047  }
0x13f: {  	s0 =	stileid.u32;
	[bflag:$0x2] =	sbarrier.arrive $0xFFFF  }
0x140: {  	p0 =	sne.s32 s0, $0x0;
	s0 =	rddreg [dreg:$0x2]  }
0x141: {  	s0 =	sadd.s32 @!p0 $0x100000, s0  }
0x142: {  	[sflag:s0] =	ssyncadd.tile.s32 @!p0 $0x1;
	_ =	shalt  }
.Lfunc_end2:
_tile_overlayer_lowered:
.L_overlay_start_2:
0x143: {  	(tag) =	ssettag $0x2  }
0x144: {  	s0 =	rddreg [dreg:$0x0];
	s2 =	stileid.u32  }
0x145: {  	s1 =	rddreg [dreg:$0x1];
	p0 =	sne.s32 s2, $0x0  }
0x146: {  	s3 =	rddreg [dreg:$0x2];
	[bflag:$0x3] =	sbarrier.arrive $0xFFFF;
	s2 =	simm.s32 @!p0 $0x1C02  }
0x147: {  	[timem:s3], [sflag:s2] =	dma.local @!p0 [hbm:s0], s1  }
0x148: {  	s0 =	simm.s32 @!p0 $0x2  }
0x149: {  	_ =	swait.ge @!p0 [sflag:s0], s1  }
0x14a: {  	s1 =	ssub.s32 @!p0 $0x0, s1;
	[sflag:s0] =	ssyncset.done @!p0 $0x0  }
0x14b: {  	[sflag:s0] =	ssyncadd.s32 @!p0 s1  }
0x14c: {  	[bflag:$0x3] =	sbarrier.arrive $0xFFFF  }
0x14d: {  	_ =	shalt  }

</sc_bundles>
